<compile_context>
chip_gen: v7x
topology: tpu7x:2x2x1
jax: 0.10.2.dev20260603
libtpu: 0.0.44.dev20260713+nightly
codegen_flags: <defaults>
</compile_context>

<pallas_src>
import functools

import jax
import jax.numpy as jnp
from jax import lax
from jax.experimental import pallas as pl
from jax.experimental.pallas import tpu as pltpu
from jax.experimental.pallas import tpu_sc as plsc

_NB = 4
_NO = 2


def _make_kernel(B, L, V, D):
  info = plsc.get_sparse_core_info()
  NC, NS, LANES = info.num_cores, info.num_subcores, info.num_lanes
  NW = NC * NS
  b_per_w = B // NW
  c0_n = min(128, L)
  c1_n = L - c0_n
  G = D // LANES

  mesh = plsc.VectorSubcoreMesh(core_axis_name="c", subcore_axis_name="s")

  @functools.partial(
      pl.kernel,
      out_type=jax.ShapeDtypeStruct((B, D * L), jnp.float32),
      mesh=mesh,
      scratch_types=[
          pltpu.VMEM((b_per_w * L,), jnp.int32),
          [pltpu.VMEM((L, D), jnp.float32) for _ in range(_NB)],
          [pltpu.VMEM((D * L,), jnp.float32) for _ in range(_NO)],
          [pltpu.SemaphoreType.DMA for _ in range(_NB)],
          [pltpu.SemaphoreType.DMA for _ in range(_NO)],
      ],
      compiler_params=pltpu.CompilerParams(
          use_tc_tiling_on_sc=False, needs_layout_passes=False),
  )
  def k(x_hbm, table_hbm, out_hbm, idx_v, rows, trows, sem_g, sem_o):
    wid = lax.axis_index("s") * NC + lax.axis_index("c")
    base = wid * b_per_w
    pltpu.sync_copy(x_hbm.at[pl.ds(base * L, b_per_w * L)], idx_v)

    iota = lax.iota(jnp.int32, LANES)
    d_base = [(iota + g * LANES) * L for g in range(G)]

    def gather_descs(b, j):
      o = b * L
      ds = [pltpu.make_async_copy(
          table_hbm.at[idx_v.at[pl.ds(o, c0_n)]],
          rows[j].at[pl.ds(0, c0_n)], sem_g[j])]
      if c1_n:
        ds.append(pltpu.make_async_copy(
            table_hbm.at[idx_v.at[pl.ds(o + c0_n, c1_n)]],
            rows[j].at[pl.ds(c0_n, c1_n)], sem_g[j]))
      return ds

    def out_desc(b, jo):
      return pltpu.make_async_copy(trows[jo], out_hbm.at[base + b], sem_o[jo])

    for j in range(_NB):
      for d in gather_descs(j, j):
        d.start()

    def group(i, carry):
      for j in range(_NB):
        b = i * _NB + j
        jo = j % _NO
        for d in gather_descs(b, j):
          d.wait()

        @pl.when(b >= _NO)
        def _():
          out_desc(b - _NO, jo).wait()

        def per_l4(t, carry2):
          l0 = t * 4
          vals = [rows[j][l0 + u, pl.ds(g * LANES, LANES)]
                  for u in range(4) for g in range(G)]
          for u in range(4):
            lsp = jnp.zeros((LANES,), jnp.int32) + (l0 + u)
            for g in range(G):
              plsc.store_scatter(trows[jo], [d_base[g] + lsp],
                                 vals[u * G + g])
          return carry2

        lax.fori_loop(0, L // 4, per_l4, 0)

        out_desc(b, jo).start()

        @pl.when(b + _NB < b_per_w)
        def _():
          for d in gather_descs(b + _NB, j):
            d.start()
      return carry

    lax.fori_loop(0, b_per_w // _NB, group, 0)
    for jo in range(_NO):
      out_desc(b_per_w - _NO + jo, jo).wait()

  return k


def kernel(x, table):
  B, L = x.shape
  V, D = table.shape
  k = _make_kernel(B, L, V, D)
  out = k(x.reshape(B * L).astype(jnp.int32), table)
  return out.reshape(B, D, L)

# --- scband reference (transcript-rebuilt; emitter-appended) ---
"""Pipeline reference for scband-produce-model-77738908058178 (READ-ONLY COPY).

The authoritative reference and input builder live on the scoring server;
editing this copy changes nothing except your own understanding.
"""

import jax, jax.numpy as jnp
import numpy as np

VOCAB = 1000000
EMBED_DIM = 64
BATCH = 4096
SEQ = 200

def setup_inputs(seed: int = 0) -> dict:
    key = jax.random.key(seed)
    k_idx, k_tab = jax.random.split(key)
    x = jax.random.randint(k_idx, (BATCH, SEQ), 0, VOCAB, dtype=jnp.int64) if jax.config.jax_enable_x64 else jax.random.randint(k_idx, (BATCH, SEQ), 0, VOCAB, dtype=jnp.int32)
    table = jax.random.normal(k_tab, (VOCAB, EMBED_DIM), dtype=jnp.float32) * 0.02
    return {"x": x, "table": table}

def reference(x, table):
    # x: int[B, L] -> embedding lookup -> [B, L, D] -> permute(0, 2, 1) -> [B, D, L]
    emb = jnp.take(table, x, axis=0)
    out = jnp.transpose(emb, (0, 2, 1))
    return out

if __name__ == "__main__":
    import jax
    _d = setup_inputs()
    print(jax.jit(kernel)(*tuple(_d.values())))

</pallas_src>

<mosaic_0001>
#map = affine_map<(d0, d1) -> (0)>
#map1 = affine_map<(d0, d1) -> (0, 0)>
module attributes {stable_mosaic.version = 14 : i64} {
  func.func @k(%arg0: i32, %arg1: i32, %arg2: memref<819200xi32, #tpu.memory_space<hbm>>, %arg3: memref<1000000x64xf32, #tpu.memory_space<hbm>>, %arg4: memref<4096x12800xf32, #tpu.memory_space<hbm>>, %arg5: memref<25600xi32, #tpu.memory_space<vmem>>, %arg6: memref<200x64xf32, #tpu.memory_space<vmem>>, %arg7: memref<200x64xf32, #tpu.memory_space<vmem>>, %arg8: memref<200x64xf32, #tpu.memory_space<vmem>>, %arg9: memref<200x64xf32, #tpu.memory_space<vmem>>, %arg10: memref<12800xf32, #tpu.memory_space<vmem>>, %arg11: memref<12800xf32, #tpu.memory_space<vmem>>, %arg12: memref<!tpu.dma_semaphore, #tpu.memory_space<semaphore_mem>>, %arg13: memref<!tpu.dma_semaphore, #tpu.memory_space<semaphore_mem>>, %arg14: memref<!tpu.dma_semaphore, #tpu.memory_space<semaphore_mem>>, %arg15: memref<!tpu.dma_semaphore, #tpu.memory_space<semaphore_mem>>, %arg16: memref<!tpu.dma_semaphore, #tpu.memory_space<semaphore_mem>>, %arg17: memref<!tpu.dma_semaphore, #tpu.memory_space<semaphore_mem>>) attributes {dimension_semantics = [#tpu.dimension_semantics<core_parallel>, #tpu.dimension_semantics<subcore_parallel>], iteration_bounds = array<i64: 2, 16>, scalar_prefetch = 0 : i64, scratch_operands = 13 : i64, tpu.core_type = #tpu.core_type<sc_vector_subcore>, window_params = [{transform_indices = #map}, {transform_indices = #map1}, {transform_indices = #map1}]} {
    %mul3A = arith.constant 2 : i32
    %mul3A_0 = arith.muli %arg1, %mul3A : i32
    %add3A = arith.addi %mul3A_0, %arg0 : i32
    %mul3A_1 = arith.constant 128 : i32
    %mul3A_2 = arith.muli %add3A, %mul3A_1 : i32
    %mul3A_3 = arith.constant 200 : i32
    %mul3A_4 = arith.muli %mul3A_2, %mul3A_3 : i32
    "tpu.region"() ({
      %run_scoped3A = tpu.sem_alloc : memref<!tpu.dma_semaphore, #tpu.memory_space<semaphore_mem>>
      %dma_start3A_112 = tpu.memref_slice %arg2[%mul3A_4] : memref<819200xi32, #tpu.memory_space<hbm>> -> memref<25600xi32, #tpu.memory_space<hbm>>
      %dma_start3A_113 = tpu.memref_slice %arg2[%mul3A_4] : memref<819200xi32, #tpu.memory_space<hbm>> -> memref<25600xi32, #tpu.memory_space<hbm>>
      tpu.enqueue_dma source(%dma_start3A_113 : memref<25600xi32, #tpu.memory_space<hbm>>) target(%arg5 : memref<25600xi32, #tpu.memory_space<vmem>>) target_semaphore(%run_scoped3A : memref<!tpu.dma_semaphore, #tpu.memory_space<semaphore_mem>>)
      %dma_wait3A_114 = tpu.memref_slice %arg2[%mul3A_4] : memref<819200xi32, #tpu.memory_space<hbm>> -> memref<25600xi32, #tpu.memory_space<hbm>>
      %dma_wait3A_115 = tpu.memref_slice %arg2[%mul3A_4] : memref<819200xi32, #tpu.memory_space<hbm>> -> memref<25600xi32, #tpu.memory_space<hbm>>
      tpu.wait_dma2 semaphore(%run_scoped3A : memref<!tpu.dma_semaphore, #tpu.memory_space<semaphore_mem>>) src(%dma_wait3A_115 : memref<25600xi32, #tpu.memory_space<hbm>>) dst(%arg5 : memref<25600xi32, #tpu.memory_space<vmem>>)
      tpu.yield
    }) : () -> ()
    %iota3A = tpu.iota {dimensions = array<i32: 0>} : vector<16xi32>
    %add3A_5 = arith.constant 0 : i32
    %add3A_6 = vector.broadcast %add3A_5 : i32 to vector<16xi32>
    %add3A_7 = arith.addi %iota3A, %add3A_6 : vector<16xi32>
    %mul3A_8 = arith.constant 200 : i32
    %mul3A_9 = vector.broadcast %mul3A_8 : i32 to vector<16xi32>
    %mul3A_10 = arith.muli %add3A_7, %mul3A_9 : vector<16xi32>
    %add3A_11 = arith.constant 16 : i32
    %add3A_12 = vector.broadcast %add3A_11 : i32 to vector<16xi32>
    %add3A_13 = arith.addi %iota3A, %add3A_12 : vector<16xi32>
    %mul3A_14 = arith.constant 200 : i32
    %mul3A_15 = vector.broadcast %mul3A_14 : i32 to vector<16xi32>
    %mul3A_16 = arith.muli %add3A_13, %mul3A_15 : vector<16xi32>
    %add3A_17 = arith.constant 32 : i32
    %add3A_18 = vector.broadcast %add3A_17 : i32 to vector<16xi32>
    %add3A_19 = arith.addi %iota3A, %add3A_18 : vector<16xi32>
    %mul3A_20 = arith.constant 200 : i32
    %mul3A_21 = vector.broadcast %mul3A_20 : i32 to vector<16xi32>
    %mul3A_22 = arith.muli %add3A_19, %mul3A_21 : vector<16xi32>
    %add3A_23 = arith.constant 48 : i32
    %add3A_24 = vector.broadcast %add3A_23 : i32 to vector<16xi32>
    %add3A_25 = arith.addi %iota3A, %add3A_24 : vector<16xi32>
    %mul3A_26 = arith.constant 200 : i32
    %mul3A_27 = vector.broadcast %mul3A_26 : i32 to vector<16xi32>
    %mul3A_28 = arith.muli %add3A_25, %mul3A_27 : vector<16xi32>
    %dma_start3A = arith.constant 0 : i32
    %dma_start3A_29 = arith.constant 0 : i32
    %dma_start3A_30 = tpu.memref_slice %arg6[%dma_start3A, %dma_start3A_29] : memref<200x64xf32, #tpu.memory_space<vmem>> -> memref<128x64xf32, #tpu.memory_space<vmem>>
    %dma_start3A_31 = arith.constant 0 : i32
    %dma_start3A_32 = tpu.memref_slice %arg5[%dma_start3A_31] : memref<25600xi32, #tpu.memory_space<vmem>> -> memref<128xi32, #tpu.memory_space<vmem>>
    %dma_start3A_33 = arith.constant 0 : i32
    %dma_start3A_34 = arith.constant 0 : i32
    %dma_start3A_35 = tpu.memref_slice %arg3[%dma_start3A_33, %dma_start3A_34] : memref<1000000x64xf32, #tpu.memory_space<hbm>> -> memref<1000000x64xf32, #tpu.memory_space<hbm>>
    tpu.enqueue_indirect_dma source(%dma_start3A_35 : memref<1000000x64xf32, #tpu.memory_space<hbm>>) target(%dma_start3A_30 : memref<128x64xf32, #tpu.memory_space<vmem>>) offsets(%dma_start3A_32 : memref<128xi32, #tpu.memory_space<vmem>>) semaphore(%arg12 : memref<!tpu.dma_semaphore, #tpu.memory_space<semaphore_mem>>)
    %dma_start3A_36 = arith.constant 128 : i32
    %dma_start3A_37 = arith.constant 0 : i32
    %dma_start3A_38 = tpu.memref_slice %arg6[%dma_start3A_36, %dma_start3A_37] : memref<200x64xf32, #tpu.memory_space<vmem>> -> memref<72x64xf32, #tpu.memory_space<vmem>>
    %dma_start3A_39 = arith.constant 128 : i32
    %dma_start3A_40 = tpu.memref_slice %arg5[%dma_start3A_39] : memref<25600xi32, #tpu.memory_space<vmem>> -> memref<72xi32, #tpu.memory_space<vmem>>
    %dma_start3A_41 = arith.constant 0 : i32
    %dma_start3A_42 = arith.constant 0 : i32
    %dma_start3A_43 = tpu.memref_slice %arg3[%dma_start3A_41, %dma_start3A_42] : memref<1000000x64xf32, #tpu.memory_space<hbm>> -> memref<1000000x64xf32, #tpu.memory_space<hbm>>
    tpu.enqueue_indirect_dma source(%dma_start3A_43 : memref<1000000x64xf32, #tpu.memory_space<hbm>>) target(%dma_start3A_38 : memref<72x64xf32, #tpu.memory_space<vmem>>) offsets(%dma_start3A_40 : memref<72xi32, #tpu.memory_space<vmem>>) semaphore(%arg12 : memref<!tpu.dma_semaphore, #tpu.memory_space<semaphore_mem>>)
    %dma_start3A_44 = arith.constant 0 : i32
    %dma_start3A_45 = arith.constant 0 : i32
    %dma_start3A_46 = tpu.memref_slice %arg7[%dma_start3A_44, %dma_start3A_45] : memref<200x64xf32, #tpu.memory_space<vmem>> -> memref<128x64xf32, #tpu.memory_space<vmem>>
    %dma_start3A_47 = arith.constant 200 : i32
    %dma_start3A_48 = tpu.memref_slice %arg5[%dma_start3A_47] : memref<25600xi32, #tpu.memory_space<vmem>> -> memref<128xi32, #tpu.memory_space<vmem>>
    %dma_start3A_49 = arith.constant 0 : i32
    %dma_start3A_50 = arith.constant 0 : i32
    %dma_start3A_51 = tpu.memref_slice %arg3[%dma_start3A_49, %dma_start3A_50] : memref<1000000x64xf32, #tpu.memory_space<hbm>> -> memref<1000000x64xf32, #tpu.memory_space<hbm>>
    tpu.enqueue_indirect_dma source(%dma_start3A_51 : memref<1000000x64xf32, #tpu.memory_space<hbm>>) target(%dma_start3A_46 : memref<128x64xf32, #tpu.memory_space<vmem>>) offsets(%dma_start3A_48 : memref<128xi32, #tpu.memory_space<vmem>>) semaphore(%arg13 : memref<!tpu.dma_semaphore, #tpu.memory_space<semaphore_mem>>)
    %dma_start3A_52 = arith.constant 128 : i32
    %dma_start3A_53 = arith.constant 0 : i32
    %dma_start3A_54 = tpu.memref_slice %arg7[%dma_start3A_52, %dma_start3A_53] : memref<200x64xf32, #tpu.memory_space<vmem>> -> memref<72x64xf32, #tpu.memory_space<vmem>>
    %dma_start3A_55 = arith.constant 328 : i32
    %dma_start3A_56 = tpu.memref_slice %arg5[%dma_start3A_55] : memref<25600xi32, #tpu.memory_space<vmem>> -> memref<72xi32, #tpu.memory_space<vmem>>
    %dma_start3A_57 = arith.constant 0 : i32
    %dma_start3A_58 = arith.constant 0 : i32
    %dma_start3A_59 = tpu.memref_slice %arg3[%dma_start3A_57, %dma_start3A_58] : memref<1000000x64xf32, #tpu.memory_space<hbm>> -> memref<1000000x64xf32, #tpu.memory_space<hbm>>
    tpu.enqueue_indirect_dma source(%dma_start3A_59 : memref<1000000x64xf32, #tpu.memory_space<hbm>>) target(%dma_start3A_54 : memref<72x64xf32, #tpu.memory_space<vmem>>) offsets(%dma_start3A_56 : memref<72xi32, #tpu.memory_space<vmem>>) semaphore(%arg13 : memref<!tpu.dma_semaphore, #tpu.memory_space<semaphore_mem>>)
    %dma_start3A_60 = arith.constant 0 : i32
    %dma_start3A_61 = arith.constant 0 : i32
    %dma_start3A_62 = tpu.memref_slice %arg8[%dma_start3A_60, %dma_start3A_61] : memref<200x64xf32, #tpu.memory_space<vmem>> -> memref<128x64xf32, #tpu.memory_space<vmem>>
    %dma_start3A_63 = arith.constant 400 : i32
    %dma_start3A_64 = tpu.memref_slice %arg5[%dma_start3A_63] : memref<25600xi32, #tpu.memory_space<vmem>> -> memref<128xi32, #tpu.memory_space<vmem>>
    %dma_start3A_65 = arith.constant 0 : i32
    %dma_start3A_66 = arith.constant 0 : i32
    %dma_start3A_67 = tpu.memref_slice %arg3[%dma_start3A_65, %dma_start3A_66] : memref<1000000x64xf32, #tpu.memory_space<hbm>> -> memref<1000000x64xf32, #tpu.memory_space<hbm>>
    tpu.enqueue_indirect_dma source(%dma_start3A_67 : memref<1000000x64xf32, #tpu.memory_space<hbm>>) target(%dma_start3A_62 : memref<128x64xf32, #tpu.memory_space<vmem>>) offsets(%dma_start3A_64 : memref<128xi32, #tpu.memory_space<vmem>>) semaphore(%arg14 : memref<!tpu.dma_semaphore, #tpu.memory_space<semaphore_mem>>)
    %dma_start3A_68 = arith.constant 128 : i32
    %dma_start3A_69 = arith.constant 0 : i32
    %dma_start3A_70 = tpu.memref_slice %arg8[%dma_start3A_68, %dma_start3A_69] : memref<200x64xf32, #tpu.memory_space<vmem>> -> memref<72x64xf32, #tpu.memory_space<vmem>>
    %dma_start3A_71 = arith.constant 528 : i32
    %dma_start3A_72 = tpu.memref_slice %arg5[%dma_start3A_71] : memref<25600xi32, #tpu.memory_space<vmem>> -> memref<72xi32, #tpu.memory_space<vmem>>
    %dma_start3A_73 = arith.constant 0 : i32
    %dma_start3A_74 = arith.constant 0 : i32
    %dma_start3A_75 = tpu.memref_slice %arg3[%dma_start3A_73, %dma_start3A_74] : memref<1000000x64xf32, #tpu.memory_space<hbm>> -> memref<1000000x64xf32, #tpu.memory_space<hbm>>
    tpu.enqueue_indirect_dma source(%dma_start3A_75 : memref<1000000x64xf32, #tpu.memory_space<hbm>>) target(%dma_start3A_70 : memref<72x64xf32, #tpu.memory_space<vmem>>) offsets(%dma_start3A_72 : memref<72xi32, #tpu.memory_space<vmem>>) semaphore(%arg14 : memref<!tpu.dma_semaphore, #tpu.memory_space<semaphore_mem>>)
    %dma_start3A_76 = arith.constant 0 : i32
    %dma_start3A_77 = arith.constant 0 : i32
    %dma_start3A_78 = tpu.memref_slice %arg9[%dma_start3A_76, %dma_start3A_77] : memref<200x64xf32, #tpu.memory_space<vmem>> -> memref<128x64xf32, #tpu.memory_space<vmem>>
    %dma_start3A_79 = arith.constant 600 : i32
    %dma_start3A_80 = tpu.memref_slice %arg5[%dma_start3A_79] : memref<25600xi32, #tpu.memory_space<vmem>> -> memref<128xi32, #tpu.memory_space<vmem>>
    %dma_start3A_81 = arith.constant 0 : i32
    %dma_start3A_82 = arith.constant 0 : i32
    %dma_start3A_83 = tpu.memref_slice %arg3[%dma_start3A_81, %dma_start3A_82] : memref<1000000x64xf32, #tpu.memory_space<hbm>> -> memref<1000000x64xf32, #tpu.memory_space<hbm>>
    tpu.enqueue_indirect_dma source(%dma_start3A_83 : memref<1000000x64xf32, #tpu.memory_space<hbm>>) target(%dma_start3A_78 : memref<128x64xf32, #tpu.memory_space<vmem>>) offsets(%dma_start3A_80 : memref<128xi32, #tpu.memory_space<vmem>>) semaphore(%arg15 : memref<!tpu.dma_semaphore, #tpu.memory_space<semaphore_mem>>)
    %dma_start3A_84 = arith.constant 128 : i32
    %dma_start3A_85 = arith.constant 0 : i32
    %dma_start3A_86 = tpu.memref_slice %arg9[%dma_start3A_84, %dma_start3A_85] : memref<200x64xf32, #tpu.memory_space<vmem>> -> memref<72x64xf32, #tpu.memory_space<vmem>>
    %dma_start3A_87 = arith.constant 728 : i32
    %dma_start3A_88 = tpu.memref_slice %arg5[%dma_start3A_87] : memref<25600xi32, #tpu.memory_space<vmem>> -> memref<72xi32, #tpu.memory_space<vmem>>
    %dma_start3A_89 = arith.constant 0 : i32
    %dma_start3A_90 = arith.constant 0 : i32
    %dma_start3A_91 = tpu.memref_slice %arg3[%dma_start3A_89, %dma_start3A_90] : memref<1000000x64xf32, #tpu.memory_space<hbm>> -> memref<1000000x64xf32, #tpu.memory_space<hbm>>
    tpu.enqueue_indirect_dma source(%dma_start3A_91 : memref<1000000x64xf32, #tpu.memory_space<hbm>>) target(%dma_start3A_86 : memref<72x64xf32, #tpu.memory_space<vmem>>) offsets(%dma_start3A_88 : memref<72xi32, #tpu.memory_space<vmem>>) semaphore(%arg15 : memref<!tpu.dma_semaphore, #tpu.memory_space<semaphore_mem>>)
    %scan3A = arith.constant 0 : i32
    %scan3A_92 = arith.constant 0 : i32
    %scan3A_93 = arith.constant 32 : i32
    %scan3A_94 = arith.addi %scan3A_92, %scan3A_93 : i32
    %scan3A_95 = arith.constant 1 : i32
    scf.for %scan3A_112 = %scan3A_92 to %scan3A_94 step %scan3A_95  : i32 {
      %mul3A_113 = arith.constant 4 : i32
      %mul3A_114 = arith.muli %scan3A_112, %mul3A_113 : i32
      %add3A_115 = arith.constant 0 : i32
      %add3A_116 = arith.addi %mul3A_114, %add3A_115 : i32
      %mul3A_117 = arith.constant 200 : i32
      %mul3A_118 = arith.muli %add3A_116, %mul3A_117 : i32
      %add3A_119 = arith.constant 128 : i32
      %add3A_120 = arith.addi %mul3A_118, %add3A_119 : i32
      %dma_wait3A_121 = arith.constant 0 : i32
      %dma_wait3A_122 = arith.constant 0 : i32
      %dma_wait3A_123 = tpu.memref_slice %arg6[%dma_wait3A_121, %dma_wait3A_122] : memref<200x64xf32, #tpu.memory_space<vmem>> -> memref<128x64xf32, #tpu.memory_space<vmem>>
      %dma_wait3A_124 = tpu.memref_slice %arg5[%mul3A_118] : memref<25600xi32, #tpu.memory_space<vmem>> -> memref<128xi32, #tpu.memory_space<vmem>>
      %dma_wait3A_125 = arith.constant 0 : i32
      %dma_wait3A_126 = arith.constant 0 : i32
      %dma_wait3A_127 = tpu.memref_slice %arg3[%dma_wait3A_125, %dma_wait3A_126] : memref<1000000x64xf32, #tpu.memory_space<hbm>> -> memref<1000000x64xf32, #tpu.memory_space<hbm>>
      tpu.wait_indirect_dma semaphore(%arg12 : memref<!tpu.dma_semaphore, #tpu.memory_space<semaphore_mem>>) src(%dma_wait3A_127 : memref<1000000x64xf32, #tpu.memory_space<hbm>>) dst(%dma_wait3A_123 : memref<128x64xf32, #tpu.memory_space<vmem>>)
      %dma_wait3A_128 = arith.constant 128 : i32
      %dma_wait3A_129 = arith.constant 0 : i32
      %dma_wait3A_130 = tpu.memref_slice %arg6[%dma_wait3A_128, %dma_wait3A_129] : memref<200x64xf32, #tpu.memory_space<vmem>> -> memref<72x64xf32, #tpu.memory_space<vmem>>
      %dma_wait3A_131 = tpu.memref_slice %arg5[%add3A_120] : memref<25600xi32, #tpu.memory_space<vmem>> -> memref<72xi32, #tpu.memory_space<vmem>>
      %dma_wait3A_132 = arith.constant 0 : i32
      %dma_wait3A_133 = arith.constant 0 : i32
      %dma_wait3A_134 = tpu.memref_slice %arg3[%dma_wait3A_132, %dma_wait3A_133] : memref<1000000x64xf32, #tpu.memory_space<hbm>> -> memref<1000000x64xf32, #tpu.memory_space<hbm>>
      tpu.wait_indirect_dma semaphore(%arg12 : memref<!tpu.dma_semaphore, #tpu.memory_space<semaphore_mem>>) src(%dma_wait3A_134 : memref<1000000x64xf32, #tpu.memory_space<hbm>>) dst(%dma_wait3A_130 : memref<72x64xf32, #tpu.memory_space<vmem>>)
      %ge3A = arith.constant 2 : i32
      %ge3A_135 = arith.cmpi sge, %add3A_116, %ge3A : i32
      %convert_element_type3A = arith.extui %ge3A_135 : i1 to i32
      %cond3A = arith.constant 0 : i32
      %cond3A_136 = arith.cmpi ne, %convert_element_type3A, %cond3A : i32
      scf.if %cond3A_136 {
        %sub3A = arith.constant 2 : i32
        %sub3A_297 = arith.subi %add3A_116, %sub3A : i32
        %add3A_298 = arith.addi %mul3A_2, %sub3A_297 : i32
        %dma_wait3A_299 = arith.constant 0 : i32
        %dma_wait3A_300 = tpu.memref_slice %arg4[%add3A_298, %dma_wait3A_299] : memref<4096x12800xf32, #tpu.memory_space<hbm>> -> memref<1x12800xf32, #tpu.memory_space<hbm>>
        %dma_wait3A_301 = tpu.memref_squeeze %dma_wait3A_300 : memref<1x12800xf32, #tpu.memory_space<hbm>> -> memref<12800xf32, #tpu.memory_space<hbm>>
        %dma_wait3A_302 = arith.constant 0 : i32
        %dma_wait3A_303 = tpu.memref_slice %arg4[%add3A_298, %dma_wait3A_302] : memref<4096x12800xf32, #tpu.memory_space<hbm>> -> memref<1x12800xf32, #tpu.memory_space<hbm>>
        %dma_wait3A_304 = tpu.memref_squeeze %dma_wait3A_303 : memref<1x12800xf32, #tpu.memory_space<hbm>> -> memref<12800xf32, #tpu.memory_space<hbm>>
        tpu.wait_dma2 semaphore(%arg16 : memref<!tpu.dma_semaphore, #tpu.memory_space<semaphore_mem>>) src(%arg10 : memref<12800xf32, #tpu.memory_space<vmem>>) dst(%dma_wait3A_304 : memref<12800xf32, #tpu.memory_space<hbm>>)
      } else {
      }
      %scan3A_137 = arith.constant 0 : i32
      %scan3A_138 = arith.constant 0 : i32
      %scan3A_139 = arith.constant 50 : i32
      %scan3A_140 = arith.addi %scan3A_138, %scan3A_139 : i32
      %scan3A_141 = arith.constant 1 : i32
      scf.for %scan3A_297 = %scan3A_138 to %scan3A_140 step %scan3A_141  : i32 {
        %mul3A_298 = arith.constant 4 : i32
        %mul3A_299 = arith.muli %scan3A_297, %mul3A_298 : i32
        %add3A_300 = arith.constant 0 : i32
        %add3A_301 = arith.addi %mul3A_299, %add3A_300 : i32
        %get3A = arith.index_cast %add3A_301 : i32 to index
        %get3A_302 = arith.constant 0 : index
        %get3A_303 = tpu.vector_load %arg6[%get3A, %get3A_302] {strides = array<i32>} : memref<200x64xf32, #tpu.memory_space<vmem>>, vector<16xf32>,
        %add3A_304 = arith.constant 0 : i32
        %add3A_305 = arith.addi %mul3A_299, %add3A_304 : i32
        %get3A_306 = arith.index_cast %add3A_305 : i32 to index
        %get3A_307 = arith.constant 16 : index
        %get3A_308 = tpu.vector_load %arg6[%get3A_306, %get3A_307] {strides = array<i32>} : memref<200x64xf32, #tpu.memory_space<vmem>>, vector<16xf32>,
        %add3A_309 = arith.constant 0 : i32
        %add3A_310 = arith.addi %mul3A_299, %add3A_309 : i32
        %get3A_311 = arith.index_cast %add3A_310 : i32 to index
        %get3A_312 = arith.constant 32 : index
        %get3A_313 = tpu.vector_load %arg6[%get3A_311, %get3A_312] {strides = array<i32>} : memref<200x64xf32, #tpu.memory_space<vmem>>, vector<16xf32>,
        %add3A_314 = arith.constant 0 : i32
        %add3A_315 = arith.addi %mul3A_299, %add3A_314 : i32
        %get3A_316 = arith.index_cast %add3A_315 : i32 to index
        %get3A_317 = arith.constant 48 : index
        %get3A_318 = tpu.vector_load %arg6[%get3A_316, %get3A_317] {strides = array<i32>} : memref<200x64xf32, #tpu.memory_space<vmem>>, vector<16xf32>,
        %add3A_319 = arith.constant 1 : i32
        %add3A_320 = arith.addi %mul3A_299, %add3A_319 : i32
        %get3A_321 = arith.index_cast %add3A_320 : i32 to index
        %get3A_322 = arith.constant 0 : index
        %get3A_323 = tpu.vector_load %arg6[%get3A_321, %get3A_322] {strides = array<i32>} : memref<200x64xf32, #tpu.memory_space<vmem>>, vector<16xf32>,
        %add3A_324 = arith.constant 1 : i32
        %add3A_325 = arith.addi %mul3A_299, %add3A_324 : i32
        %get3A_326 = arith.index_cast %add3A_325 : i32 to index
        %get3A_327 = arith.constant 16 : index
        %get3A_328 = tpu.vector_load %arg6[%get3A_326, %get3A_327] {strides = array<i32>} : memref<200x64xf32, #tpu.memory_space<vmem>>, vector<16xf32>,
        %add3A_329 = arith.constant 1 : i32
        %add3A_330 = arith.addi %mul3A_299, %add3A_329 : i32
        %get3A_331 = arith.index_cast %add3A_330 : i32 to index
        %get3A_332 = arith.constant 32 : index
        %get3A_333 = tpu.vector_load %arg6[%get3A_331, %get3A_332] {strides = array<i32>} : memref<200x64xf32, #tpu.memory_space<vmem>>, vector<16xf32>,
        %add3A_334 = arith.constant 1 : i32
        %add3A_335 = arith.addi %mul3A_299, %add3A_334 : i32
        %get3A_336 = arith.index_cast %add3A_335 : i32 to index
        %get3A_337 = arith.constant 48 : index
        %get3A_338 = tpu.vector_load %arg6[%get3A_336, %get3A_337] {strides = array<i32>} : memref<200x64xf32, #tpu.memory_space<vmem>>, vector<16xf32>,
        %add3A_339 = arith.constant 2 : i32
        %add3A_340 = arith.addi %mul3A_299, %add3A_339 : i32
        %get3A_341 = arith.index_cast %add3A_340 : i32 to index
        %get3A_342 = arith.constant 0 : index
        %get3A_343 = tpu.vector_load %arg6[%get3A_341, %get3A_342] {strides = array<i32>} : memref<200x64xf32, #tpu.memory_space<vmem>>, vector<16xf32>,
        %add3A_344 = arith.constant 2 : i32
        %add3A_345 = arith.addi %mul3A_299, %add3A_344 : i32
        %get3A_346 = arith.index_cast %add3A_345 : i32 to index
        %get3A_347 = arith.constant 16 : index
        %get3A_348 = tpu.vector_load %arg6[%get3A_346, %get3A_347] {strides = array<i32>} : memref<200x64xf32, #tpu.memory_space<vmem>>, vector<16xf32>,
        %add3A_349 = arith.constant 2 : i32
        %add3A_350 = arith.addi %mul3A_299, %add3A_349 : i32
        %get3A_351 = arith.index_cast %add3A_350 : i32 to index
        %get3A_352 = arith.constant 32 : index
        %get3A_353 = tpu.vector_load %arg6[%get3A_351, %get3A_352] {strides = array<i32>} : memref<200x64xf32, #tpu.memory_space<vmem>>, vector<16xf32>,
        %add3A_354 = arith.constant 2 : i32
        %add3A_355 = arith.addi %mul3A_299, %add3A_354 : i32
        %get3A_356 = arith.index_cast %add3A_355 : i32 to index
        %get3A_357 = arith.constant 48 : index
        %get3A_358 = tpu.vector_load %arg6[%get3A_356, %get3A_357] {strides = array<i32>} : memref<200x64xf32, #tpu.memory_space<vmem>>, vector<16xf32>,
        %add3A_359 = arith.constant 3 : i32
        %add3A_360 = arith.addi %mul3A_299, %add3A_359 : i32
        %get3A_361 = arith.index_cast %add3A_360 : i32 to index
        %get3A_362 = arith.constant 0 : index
        %get3A_363 = tpu.vector_load %arg6[%get3A_361, %get3A_362] {strides = array<i32>} : memref<200x64xf32, #tpu.memory_space<vmem>>, vector<16xf32>,
        %add3A_364 = arith.constant 3 : i32
        %add3A_365 = arith.addi %mul3A_299, %add3A_364 : i32
        %get3A_366 = arith.index_cast %add3A_365 : i32 to index
        %get3A_367 = arith.constant 16 : index
        %get3A_368 = tpu.vector_load %arg6[%get3A_366, %get3A_367] {strides = array<i32>} : memref<200x64xf32, #tpu.memory_space<vmem>>, vector<16xf32>,
        %add3A_369 = arith.constant 3 : i32
        %add3A_370 = arith.addi %mul3A_299, %add3A_369 : i32
        %get3A_371 = arith.index_cast %add3A_370 : i32 to index
        %get3A_372 = arith.constant 32 : index
        %get3A_373 = tpu.vector_load %arg6[%get3A_371, %get3A_372] {strides = array<i32>} : memref<200x64xf32, #tpu.memory_space<vmem>>, vector<16xf32>,
        %add3A_374 = arith.constant 3 : i32
        %add3A_375 = arith.addi %mul3A_299, %add3A_374 : i32
        %get3A_376 = arith.index_cast %add3A_375 : i32 to index
        %get3A_377 = arith.constant 48 : index
        %get3A_378 = tpu.vector_load %arg6[%get3A_376, %get3A_377] {strides = array<i32>} : memref<200x64xf32, #tpu.memory_space<vmem>>, vector<16xf32>,
        %broadcast_in_dim3A = arith.constant 0 : i32
        %broadcast_in_dim3A_379 = vector.broadcast %broadcast_in_dim3A : i32 to vector<16xi32>
        %add3A_380 = arith.constant 0 : i32
        %add3A_381 = arith.addi %mul3A_299, %add3A_380 : i32
        %add3A_382 = vector.broadcast %add3A_381 : i32 to vector<16xi32>
        %add3A_383 = arith.addi %broadcast_in_dim3A_379, %add3A_382 : vector<16xi32>
        %add3A_384 = arith.addi %mul3A_10, %add3A_383 : vector<16xi32>
        tpu.vector_store_idx %arg10[%add3A_384], %get3A_303 : memref<12800xf32, #tpu.memory_space<vmem>>[vector<16xi32>], vector<16xf32>,
        %add3A_385 = arith.addi %mul3A_16, %add3A_383 : vector<16xi32>
        tpu.vector_store_idx %arg10[%add3A_385], %get3A_308 : memref<12800xf32, #tpu.memory_space<vmem>>[vector<16xi32>], vector<16xf32>,
        %add3A_386 = arith.addi %mul3A_22, %add3A_383 : vector<16xi32>
        tpu.vector_store_idx %arg10[%add3A_386], %get3A_313 : memref<12800xf32, #tpu.memory_space<vmem>>[vector<16xi32>], vector<16xf32>,
        %add3A_387 = arith.addi %mul3A_28, %add3A_383 : vector<16xi32>
        tpu.vector_store_idx %arg10[%add3A_387], %get3A_318 : memref<12800xf32, #tpu.memory_space<vmem>>[vector<16xi32>], vector<16xf32>,
        %broadcast_in_dim3A_388 = arith.constant 0 : i32
        %broadcast_in_dim3A_389 = vector.broadcast %broadcast_in_dim3A_388 : i32 to vector<16xi32>
        %add3A_390 = arith.constant 1 : i32
        %add3A_391 = arith.addi %mul3A_299, %add3A_390 : i32
        %add3A_392 = vector.broadcast %add3A_391 : i32 to vector<16xi32>
        %add3A_393 = arith.addi %broadcast_in_dim3A_389, %add3A_392 : vector<16xi32>
        %add3A_394 = arith.addi %mul3A_10, %add3A_393 : vector<16xi32>
        tpu.vector_store_idx %arg10[%add3A_394], %get3A_323 : memref<12800xf32, #tpu.memory_space<vmem>>[vector<16xi32>], vector<16xf32>,
        %add3A_395 = arith.addi %mul3A_16, %add3A_393 : vector<16xi32>
        tpu.vector_store_idx %arg10[%add3A_395], %get3A_328 : memref<12800xf32, #tpu.memory_space<vmem>>[vector<16xi32>], vector<16xf32>,
        %add3A_396 = arith.addi %mul3A_22, %add3A_393 : vector<16xi32>
        tpu.vector_store_idx %arg10[%add3A_396], %get3A_333 : memref<12800xf32, #tpu.memory_space<vmem>>[vector<16xi32>], vector<16xf32>,
        %add3A_397 = arith.addi %mul3A_28, %add3A_393 : vector<16xi32>
        tpu.vector_store_idx %arg10[%add3A_397], %get3A_338 : memref<12800xf32, #tpu.memory_space<vmem>>[vector<16xi32>], vector<16xf32>,
        %broadcast_in_dim3A_398 = arith.constant 0 : i32
        %broadcast_in_dim3A_399 = vector.broadcast %broadcast_in_dim3A_398 : i32 to vector<16xi32>
        %add3A_400 = arith.constant 2 : i32
        %add3A_401 = arith.addi %mul3A_299, %add3A_400 : i32
        %add3A_402 = vector.broadcast %add3A_401 : i32 to vector<16xi32>
        %add3A_403 = arith.addi %broadcast_in_dim3A_399, %add3A_402 : vector<16xi32>
        %add3A_404 = arith.addi %mul3A_10, %add3A_403 : vector<16xi32>
        tpu.vector_store_idx %arg10[%add3A_404], %get3A_343 : memref<12800xf32, #tpu.memory_space<vmem>>[vector<16xi32>], vector<16xf32>,
        %add3A_405 = arith.addi %mul3A_16, %add3A_403 : vector<16xi32>
        tpu.vector_store_idx %arg10[%add3A_405], %get3A_348 : memref<12800xf32, #tpu.memory_space<vmem>>[vector<16xi32>], vector<16xf32>,
        %add3A_406 = arith.addi %mul3A_22, %add3A_403 : vector<16xi32>
        tpu.vector_store_idx %arg10[%add3A_406], %get3A_353 : memref<12800xf32, #tpu.memory_space<vmem>>[vector<16xi32>], vector<16xf32>,
        %add3A_407 = arith.addi %mul3A_28, %add3A_403 : vector<16xi32>
        tpu.vector_store_idx %arg10[%add3A_407], %get3A_358 : memref<12800xf32, #tpu.memory_space<vmem>>[vector<16xi32>], vector<16xf32>,
        %broadcast_in_dim3A_408 = arith.constant 0 : i32
        %broadcast_in_dim3A_409 = vector.broadcast %broadcast_in_dim3A_408 : i32 to vector<16xi32>
        %add3A_410 = arith.constant 3 : i32
        %add3A_411 = arith.addi %mul3A_299, %add3A_410 : i32
        %add3A_412 = vector.broadcast %add3A_411 : i32 to vector<16xi32>
        %add3A_413 = arith.addi %broadcast_in_dim3A_409, %add3A_412 : vector<16xi32>
        %add3A_414 = arith.addi %mul3A_10, %add3A_413 : vector<16xi32>
        tpu.vector_store_idx %arg10[%add3A_414], %get3A_363 : memref<12800xf32, #tpu.memory_space<vmem>>[vector<16xi32>], vector<16xf32>,
        %add3A_415 = arith.addi %mul3A_16, %add3A_413 : vector<16xi32>
        tpu.vector_store_idx %arg10[%add3A_415], %get3A_368 : memref<12800xf32, #tpu.memory_space<vmem>>[vector<16xi32>], vector<16xf32>,
        %add3A_416 = arith.addi %mul3A_22, %add3A_413 : vector<16xi32>
        tpu.vector_store_idx %arg10[%add3A_416], %get3A_373 : memref<12800xf32, #tpu.memory_space<vmem>>[vector<16xi32>], vector<16xf32>,
        %add3A_417 = arith.addi %mul3A_28, %add3A_413 : vector<16xi32>
        tpu.vector_store_idx %arg10[%add3A_417], %get3A_378 : memref<12800xf32, #tpu.memory_space<vmem>>[vector<16xi32>], vector<16xf32>,
      }
      %scan3A_142 = arith.constant 50 : i32
      %add3A_143 = arith.addi %mul3A_2, %add3A_116 : i32
      %dma_start3A_144 = arith.constant 0 : i32
      %dma_start3A_145 = tpu.memref_slice %arg4[%add3A_143, %dma_start3A_144] : memref<4096x12800xf32, #tpu.memory_space<hbm>> -> memref<1x12800xf32, #tpu.memory_space<hbm>>
      %dma_start3A_146 = tpu.memref_squeeze %dma_start3A_145 : memref<1x12800xf32, #tpu.memory_space<hbm>> -> memref<12800xf32, #tpu.memory_space<hbm>>
      %dma_start3A_147 = arith.constant 0 : i32
      %dma_start3A_148 = tpu.memref_slice %arg4[%add3A_143, %dma_start3A_147] : memref<4096x12800xf32, #tpu.memory_space<hbm>> -> memref<1x12800xf32, #tpu.memory_space<hbm>>
      %dma_start3A_149 = tpu.memref_squeeze %dma_start3A_148 : memref<1x12800xf32, #tpu.memory_space<hbm>> -> memref<12800xf32, #tpu.memory_space<hbm>>
      tpu.enqueue_dma source(%arg10 : memref<12800xf32, #tpu.memory_space<vmem>>) target(%dma_start3A_149 : memref<12800xf32, #tpu.memory_space<hbm>>) target_semaphore(%arg16 : memref<!tpu.dma_semaphore, #tpu.memory_space<semaphore_mem>>)
      %add3A_150 = arith.constant 4 : i32
      %add3A_151 = arith.addi %add3A_116, %add3A_150 : i32
      %lt3A = arith.constant 128 : i32
      %lt3A_152 = arith.cmpi slt, %add3A_151, %lt3A : i32
      %convert_element_type3A_153 = arith.extui %lt3A_152 : i1 to i32
      %cond3A_154 = arith.constant 0 : i32
      %cond3A_155 = arith.cmpi ne, %convert_element_type3A_153, %cond3A_154 : i32
      scf.if %cond3A_155 {
        %add3A_297 = arith.constant 4 : i32
        %add3A_298 = arith.addi %add3A_116, %add3A_297 : i32
        %mul3A_299 = arith.constant 200 : i32
        %mul3A_300 = arith.muli %add3A_298, %mul3A_299 : i32
        %add3A_301 = arith.constant 128 : i32
        %add3A_302 = arith.addi %mul3A_300, %add3A_301 : i32
        %dma_start3A_303 = arith.constant 0 : i32
        %dma_start3A_304 = arith.constant 0 : i32
        %dma_start3A_305 = tpu.memref_slice %arg6[%dma_start3A_303, %dma_start3A_304] : memref<200x64xf32, #tpu.memory_space<vmem>> -> memref<128x64xf32, #tpu.memory_space<vmem>>
        %dma_start3A_306 = tpu.memref_slice %arg5[%mul3A_300] : memref<25600xi32, #tpu.memory_space<vmem>> -> memref<128xi32, #tpu.memory_space<vmem>>
        %dma_start3A_307 = arith.constant 0 : i32
        %dma_start3A_308 = arith.constant 0 : i32
        %dma_start3A_309 = tpu.memref_slice %arg3[%dma_start3A_307, %dma_start3A_308] : memref<1000000x64xf32, #tpu.memory_space<hbm>> -> memref<1000000x64xf32, #tpu.memory_space<hbm>>
        tpu.enqueue_indirect_dma source(%dma_start3A_309 : memref<1000000x64xf32, #tpu.memory_space<hbm>>) target(%dma_start3A_305 : memref<128x64xf32, #tpu.memory_space<vmem>>) offsets(%dma_start3A_306 : memref<128xi32, #tpu.memory_space<vmem>>) semaphore(%arg12 : memref<!tpu.dma_semaphore, #tpu.memory_space<semaphore_mem>>)
        %dma_start3A_310 = arith.constant 128 : i32
        %dma_start3A_311 = arith.constant 0 : i32
        %dma_start3A_312 = tpu.memref_slice %arg6[%dma_start3A_310, %dma_start3A_311] : memref<200x64xf32, #tpu.memory_space<vmem>> -> memref<72x64xf32, #tpu.memory_space<vmem>>
        %dma_start3A_313 = tpu.memref_slice %arg5[%add3A_302] : memref<25600xi32, #tpu.memory_space<vmem>> -> memref<72xi32, #tpu.memory_space<vmem>>
        %dma_start3A_314 = arith.constant 0 : i32
        %dma_start3A_315 = arith.constant 0 : i32
        %dma_start3A_316 = tpu.memref_slice %arg3[%dma_start3A_314, %dma_start3A_315] : memref<1000000x64xf32, #tpu.memory_space<hbm>> -> memref<1000000x64xf32, #tpu.memory_space<hbm>>
        tpu.enqueue_indirect_dma source(%dma_start3A_316 : memref<1000000x64xf32, #tpu.memory_space<hbm>>) target(%dma_start3A_312 : memref<72x64xf32, #tpu.memory_space<vmem>>) offsets(%dma_start3A_313 : memref<72xi32, #tpu.memory_space<vmem>>) semaphore(%arg12 : memref<!tpu.dma_semaphore, #tpu.memory_space<semaphore_mem>>)
      } else {
      }
      %mul3A_156 = arith.constant 4 : i32
      %mul3A_157 = arith.muli %scan3A_112, %mul3A_156 : i32
      %add3A_158 = arith.constant 1 : i32
      %add3A_159 = arith.addi %mul3A_157, %add3A_158 : i32
      %mul3A_160 = arith.constant 200 : i32
      %mul3A_161 = arith.muli %add3A_159, %mul3A_160 : i32
      %add3A_162 = arith.constant 128 : i32
      %add3A_163 = arith.addi %mul3A_161, %add3A_162 : i32
      %dma_wait3A_164 = arith.constant 0 : i32
      %dma_wait3A_165 = arith.constant 0 : i32
      %dma_wait3A_166 = tpu.memref_slice %arg7[%dma_wait3A_164, %dma_wait3A_165] : memref<200x64xf32, #tpu.memory_space<vmem>> -> memref<128x64xf32, #tpu.memory_space<vmem>>
      %dma_wait3A_167 = tpu.memref_slice %arg5[%mul3A_161] : memref<25600xi32, #tpu.memory_space<vmem>> -> memref<128xi32, #tpu.memory_space<vmem>>
      %dma_wait3A_168 = arith.constant 0 : i32
      %dma_wait3A_169 = arith.constant 0 : i32
      %dma_wait3A_170 = tpu.memref_slice %arg3[%dma_wait3A_168, %dma_wait3A_169] : memref<1000000x64xf32, #tpu.memory_space<hbm>> -> memref<1000000x64xf32, #tpu.memory_space<hbm>>
      tpu.wait_indirect_dma semaphore(%arg13 : memref<!tpu.dma_semaphore, #tpu.memory_space<semaphore_mem>>) src(%dma_wait3A_170 : memref<1000000x64xf32, #tpu.memory_space<hbm>>) dst(%dma_wait3A_166 : memref<128x64xf32, #tpu.memory_space<vmem>>)
      %dma_wait3A_171 = arith.constant 128 : i32
      %dma_wait3A_172 = arith.constant 0 : i32
      %dma_wait3A_173 = tpu.memref_slice %arg7[%dma_wait3A_171, %dma_wait3A_172] : memref<200x64xf32, #tpu.memory_space<vmem>> -> memref<72x64xf32, #tpu.memory_space<vmem>>
      %dma_wait3A_174 = tpu.memref_slice %arg5[%add3A_163] : memref<25600xi32, #tpu.memory_space<vmem>> -> memref<72xi32, #tpu.memory_space<vmem>>
      %dma_wait3A_175 = arith.constant 0 : i32
      %dma_wait3A_176 = arith.constant 0 : i32
      %dma_wait3A_177 = tpu.memref_slice %arg3[%dma_wait3A_175, %dma_wait3A_176] : memref<1000000x64xf32, #tpu.memory_space<hbm>> -> memref<1000000x64xf32, #tpu.memory_space<hbm>>
      tpu.wait_indirect_dma semaphore(%arg13 : memref<!tpu.dma_semaphore, #tpu.memory_space<semaphore_mem>>) src(%dma_wait3A_177 : memref<1000000x64xf32, #tpu.memory_space<hbm>>) dst(%dma_wait3A_173 : memref<72x64xf32, #tpu.memory_space<vmem>>)
      %ge3A_178 = arith.constant 2 : i32
      %ge3A_179 = arith.cmpi sge, %add3A_159, %ge3A_178 : i32
      %convert_element_type3A_180 = arith.extui %ge3A_179 : i1 to i32
      %cond3A_181 = arith.constant 0 : i32
      %cond3A_182 = arith.cmpi ne, %convert_element_type3A_180, %cond3A_181 : i32
      scf.if %cond3A_182 {
        %sub3A = arith.constant 2 : i32
        %sub3A_297 = arith.subi %add3A_159, %sub3A : i32
        %add3A_298 = arith.addi %mul3A_2, %sub3A_297 : i32
        %dma_wait3A_299 = arith.constant 0 : i32
        %dma_wait3A_300 = tpu.memref_slice %arg4[%add3A_298, %dma_wait3A_299] : memref<4096x12800xf32, #tpu.memory_space<hbm>> -> memref<1x12800xf32, #tpu.memory_space<hbm>>
        %dma_wait3A_301 = tpu.memref_squeeze %dma_wait3A_300 : memref<1x12800xf32, #tpu.memory_space<hbm>> -> memref<12800xf32, #tpu.memory_space<hbm>>
        %dma_wait3A_302 = arith.constant 0 : i32
        %dma_wait3A_303 = tpu.memref_slice %arg4[%add3A_298, %dma_wait3A_302] : memref<4096x12800xf32, #tpu.memory_space<hbm>> -> memref<1x12800xf32, #tpu.memory_space<hbm>>
        %dma_wait3A_304 = tpu.memref_squeeze %dma_wait3A_303 : memref<1x12800xf32, #tpu.memory_space<hbm>> -> memref<12800xf32, #tpu.memory_space<hbm>>
        tpu.wait_dma2 semaphore(%arg17 : memref<!tpu.dma_semaphore, #tpu.memory_space<semaphore_mem>>) src(%arg11 : memref<12800xf32, #tpu.memory_space<vmem>>) dst(%dma_wait3A_304 : memref<12800xf32, #tpu.memory_space<hbm>>)
      } else {
      }
      %scan3A_183 = arith.constant 0 : i32
      %scan3A_184 = arith.constant 0 : i32
      %scan3A_185 = arith.constant 50 : i32
      %scan3A_186 = arith.addi %scan3A_184, %scan3A_185 : i32
      %scan3A_187 = arith.constant 1 : i32
      scf.for %scan3A_297 = %scan3A_184 to %scan3A_186 step %scan3A_187  : i32 {
        %mul3A_298 = arith.constant 4 : i32
        %mul3A_299 = arith.muli %scan3A_297, %mul3A_298 : i32
        %add3A_300 = arith.constant 0 : i32
        %add3A_301 = arith.addi %mul3A_299, %add3A_300 : i32
        %get3A = arith.index_cast %add3A_301 : i32 to index
        %get3A_302 = arith.constant 0 : index
        %get3A_303 = tpu.vector_load %arg7[%get3A, %get3A_302] {strides = array<i32>} : memref<200x64xf32, #tpu.memory_space<vmem>>, vector<16xf32>,
        %add3A_304 = arith.constant 0 : i32
        %add3A_305 = arith.addi %mul3A_299, %add3A_304 : i32
        %get3A_306 = arith.index_cast %add3A_305 : i32 to index
        %get3A_307 = arith.constant 16 : index
        %get3A_308 = tpu.vector_load %arg7[%get3A_306, %get3A_307] {strides = array<i32>} : memref<200x64xf32, #tpu.memory_space<vmem>>, vector<16xf32>,
        %add3A_309 = arith.constant 0 : i32
        %add3A_310 = arith.addi %mul3A_299, %add3A_309 : i32
        %get3A_311 = arith.index_cast %add3A_310 : i32 to index
        %get3A_312 = arith.constant 32 : index
        %get3A_313 = tpu.vector_load %arg7[%get3A_311, %get3A_312] {strides = array<i32>} : memref<200x64xf32, #tpu.memory_space<vmem>>, vector<16xf32>,
        %add3A_314 = arith.constant 0 : i32
        %add3A_315 = arith.addi %mul3A_299, %add3A_314 : i32
        %get3A_316 = arith.index_cast %add3A_315 : i32 to index
        %get3A_317 = arith.constant 48 : index
        %get3A_318 = tpu.vector_load %arg7[%get3A_316, %get3A_317] {strides = array<i32>} : memref<200x64xf32, #tpu.memory_space<vmem>>, vector<16xf32>,
        %add3A_319 = arith.constant 1 : i32
        %add3A_320 = arith.addi %mul3A_299, %add3A_319 : i32
        %get3A_321 = arith.index_cast %add3A_320 : i32 to index
        %get3A_322 = arith.constant 0 : index
        %get3A_323 = tpu.vector_load %arg7[%get3A_321, %get3A_322] {strides = array<i32>} : memref<200x64xf32, #tpu.memory_space<vmem>>, vector<16xf32>,
        %add3A_324 = arith.constant 1 : i32
        %add3A_325 = arith.addi %mul3A_299, %add3A_324 : i32
        %get3A_326 = arith.index_cast %add3A_325 : i32 to index
        %get3A_327 = arith.constant 16 : index
        %get3A_328 = tpu.vector_load %arg7[%get3A_326, %get3A_327] {strides = array<i32>} : memref<200x64xf32, #tpu.memory_space<vmem>>, vector<16xf32>,
        %add3A_329 = arith.constant 1 : i32
        %add3A_330 = arith.addi %mul3A_299, %add3A_329 : i32
        %get3A_331 = arith.index_cast %add3A_330 : i32 to index
        %get3A_332 = arith.constant 32 : index
        %get3A_333 = tpu.vector_load %arg7[%get3A_331, %get3A_332] {strides = array<i32>} : memref<200x64xf32, #tpu.memory_space<vmem>>, vector<16xf32>,
        %add3A_334 = arith.constant 1 : i32
        %add3A_335 = arith.addi %mul3A_299, %add3A_334 : i32
        %get3A_336 = arith.index_cast %add3A_335 : i32 to index
        %get3A_337 = arith.constant 48 : index
        %get3A_338 = tpu.vector_load %arg7[%get3A_336, %get3A_337] {strides = array<i32>} : memref<200x64xf32, #tpu.memory_space<vmem>>, vector<16xf32>,
        %add3A_339 = arith.constant 2 : i32
        %add3A_340 = arith.addi %mul3A_299, %add3A_339 : i32
        %get3A_341 = arith.index_cast %add3A_340 : i32 to index
        %get3A_342 = arith.constant 0 : index
        %get3A_343 = tpu.vector_load %arg7[%get3A_341, %get3A_342] {strides = array<i32>} : memref<200x64xf32, #tpu.memory_space<vmem>>, vector<16xf32>,
        %add3A_344 = arith.constant 2 : i32
        %add3A_345 = arith.addi %mul3A_299, %add3A_344 : i32
        %get3A_346 = arith.index_cast %add3A_345 : i32 to index
        %get3A_347 = arith.constant 16 : index
        %get3A_348 = tpu.vector_load %arg7[%get3A_346, %get3A_347] {strides = array<i32>} : memref<200x64xf32, #tpu.memory_space<vmem>>, vector<16xf32>,
        %add3A_349 = arith.constant 2 : i32
        %add3A_350 = arith.addi %mul3A_299, %add3A_349 : i32
        %get3A_351 = arith.index_cast %add3A_350 : i32 to index
        %get3A_352 = arith.constant 32 : index
        %get3A_353 = tpu.vector_load %arg7[%get3A_351, %get3A_352] {strides = array<i32>} : memref<200x64xf32, #tpu.memory_space<vmem>>, vector<16xf32>,
        %add3A_354 = arith.constant 2 : i32
        %add3A_355 = arith.addi %mul3A_299, %add3A_354 : i32
        %get3A_356 = arith.index_cast %add3A_355 : i32 to index
        %get3A_357 = arith.constant 48 : index
        %get3A_358 = tpu.vector_load %arg7[%get3A_356, %get3A_357] {strides = array<i32>} : memref<200x64xf32, #tpu.memory_space<vmem>>, vector<16xf32>,
        %add3A_359 = arith.constant 3 : i32
        %add3A_360 = arith.addi %mul3A_299, %add3A_359 : i32
        %get3A_361 = arith.index_cast %add3A_360 : i32 to index
        %get3A_362 = arith.constant 0 : index
        %get3A_363 = tpu.vector_load %arg7[%get3A_361, %get3A_362] {strides = array<i32>} : memref<200x64xf32, #tpu.memory_space<vmem>>, vector<16xf32>,
        %add3A_364 = arith.constant 3 : i32
        %add3A_365 = arith.addi %mul3A_299, %add3A_364 : i32
        %get3A_366 = arith.index_cast %add3A_365 : i32 to index
        %get3A_367 = arith.constant 16 : index
        %get3A_368 = tpu.vector_load %arg7[%get3A_366, %get3A_367] {strides = array<i32>} : memref<200x64xf32, #tpu.memory_space<vmem>>, vector<16xf32>,
        %add3A_369 = arith.constant 3 : i32
        %add3A_370 = arith.addi %mul3A_299, %add3A_369 : i32
        %get3A_371 = arith.index_cast %add3A_370 : i32 to index
        %get3A_372 = arith.constant 32 : index
        %get3A_373 = tpu.vector_load %arg7[%get3A_371, %get3A_372] {strides = array<i32>} : memref<200x64xf32, #tpu.memory_space<vmem>>, vector<16xf32>,
        %add3A_374 = arith.constant 3 : i32
        %add3A_375 = arith.addi %mul3A_299, %add3A_374 : i32
        %get3A_376 = arith.index_cast %add3A_375 : i32 to index
        %get3A_377 = arith.constant 48 : index
        %get3A_378 = tpu.vector_load %arg7[%get3A_376, %get3A_377] {strides = array<i32>} : memref<200x64xf32, #tpu.memory_space<vmem>>, vector<16xf32>,
        %broadcast_in_dim3A = arith.constant 0 : i32
        %broadcast_in_dim3A_379 = vector.broadcast %broadcast_in_dim3A : i32 to vector<16xi32>
        %add3A_380 = arith.constant 0 : i32
        %add3A_381 = arith.addi %mul3A_299, %add3A_380 : i32
        %add3A_382 = vector.broadcast %add3A_381 : i32 to vector<16xi32>
        %add3A_383 = arith.addi %broadcast_in_dim3A_379, %add3A_382 : vector<16xi32>
        %add3A_384 = arith.addi %mul3A_10, %add3A_383 : vector<16xi32>
        tpu.vector_store_idx %arg11[%add3A_384], %get3A_303 : memref<12800xf32, #tpu.memory_space<vmem>>[vector<16xi32>], vector<16xf32>,
        %add3A_385 = arith.addi %mul3A_16, %add3A_383 : vector<16xi32>
        tpu.vector_store_idx %arg11[%add3A_385], %get3A_308 : memref<12800xf32, #tpu.memory_space<vmem>>[vector<16xi32>], vector<16xf32>,
        %add3A_386 = arith.addi %mul3A_22, %add3A_383 : vector<16xi32>
        tpu.vector_store_idx %arg11[%add3A_386], %get3A_313 : memref<12800xf32, #tpu.memory_space<vmem>>[vector<16xi32>], vector<16xf32>,
        %add3A_387 = arith.addi %mul3A_28, %add3A_383 : vector<16xi32>
        tpu.vector_store_idx %arg11[%add3A_387], %get3A_318 : memref<12800xf32, #tpu.memory_space<vmem>>[vector<16xi32>], vector<16xf32>,
        %broadcast_in_dim3A_388 = arith.constant 0 : i32
        %broadcast_in_dim3A_389 = vector.broadcast %broadcast_in_dim3A_388 : i32 to vector<16xi32>
        %add3A_390 = arith.constant 1 : i32
        %add3A_391 = arith.addi %mul3A_299, %add3A_390 : i32
        %add3A_392 = vector.broadcast %add3A_391 : i32 to vector<16xi32>
        %add3A_393 = arith.addi %broadcast_in_dim3A_389, %add3A_392 : vector<16xi32>
        %add3A_394 = arith.addi %mul3A_10, %add3A_393 : vector<16xi32>
        tpu.vector_store_idx %arg11[%add3A_394], %get3A_323 : memref<12800xf32, #tpu.memory_space<vmem>>[vector<16xi32>], vector<16xf32>,
        %add3A_395 = arith.addi %mul3A_16, %add3A_393 : vector<16xi32>
        tpu.vector_store_idx %arg11[%add3A_395], %get3A_328 : memref<12800xf32, #tpu.memory_space<vmem>>[vector<16xi32>], vector<16xf32>,
        %add3A_396 = arith.addi %mul3A_22, %add3A_393 : vector<16xi32>
        tpu.vector_store_idx %arg11[%add3A_396], %get3A_333 : memref<12800xf32, #tpu.memory_space<vmem>>[vector<16xi32>], vector<16xf32>,
        %add3A_397 = arith.addi %mul3A_28, %add3A_393 : vector<16xi32>
        tpu.vector_store_idx %arg11[%add3A_397], %get3A_338 : memref<12800xf32, #tpu.memory_space<vmem>>[vector<16xi32>], vector<16xf32>,
        %broadcast_in_dim3A_398 = arith.constant 0 : i32
        %broadcast_in_dim3A_399 = vector.broadcast %broadcast_in_dim3A_398 : i32 to vector<16xi32>
        %add3A_400 = arith.constant 2 : i32
        %add3A_401 = arith.addi %mul3A_299, %add3A_400 : i32
        %add3A_402 = vector.broadcast %add3A_401 : i32 to vector<16xi32>
        %add3A_403 = arith.addi %broadcast_in_dim3A_399, %add3A_402 : vector<16xi32>
        %add3A_404 = arith.addi %mul3A_10, %add3A_403 : vector<16xi32>
        tpu.vector_store_idx %arg11[%add3A_404], %get3A_343 : memref<12800xf32, #tpu.memory_space<vmem>>[vector<16xi32>], vector<16xf32>,
        %add3A_405 = arith.addi %mul3A_16, %add3A_403 : vector<16xi32>
        tpu.vector_store_idx %arg11[%add3A_405], %get3A_348 : memref<12800xf32, #tpu.memory_space<vmem>>[vector<16xi32>], vector<16xf32>,
        %add3A_406 = arith.addi %mul3A_22, %add3A_403 : vector<16xi32>
        tpu.vector_store_idx %arg11[%add3A_406], %get3A_353 : memref<12800xf32, #tpu.memory_space<vmem>>[vector<16xi32>], vector<16xf32>,
        %add3A_407 = arith.addi %mul3A_28, %add3A_403 : vector<16xi32>
        tpu.vector_store_idx %arg11[%add3A_407], %get3A_358 : memref<12800xf32, #tpu.memory_space<vmem>>[vector<16xi32>], vector<16xf32>,
        %broadcast_in_dim3A_408 = arith.constant 0 : i32
        %broadcast_in_dim3A_409 = vector.broadcast %broadcast_in_dim3A_408 : i32 to vector<16xi32>
        %add3A_410 = arith.constant 3 : i32
        %add3A_411 = arith.addi %mul3A_299, %add3A_410 : i32
        %add3A_412 = vector.broadcast %add3A_411 : i32 to vector<16xi32>
        %add3A_413 = arith.addi %broadcast_in_dim3A_409, %add3A_412 : vector<16xi32>
        %add3A_414 = arith.addi %mul3A_10, %add3A_413 : vector<16xi32>
        tpu.vector_store_idx %arg11[%add3A_414], %get3A_363 : memref<12800xf32, #tpu.memory_space<vmem>>[vector<16xi32>], vector<16xf32>,
        %add3A_415 = arith.addi %mul3A_16, %add3A_413 : vector<16xi32>
        tpu.vector_store_idx %arg11[%add3A_415], %get3A_368 : memref<12800xf32, #tpu.memory_space<vmem>>[vector<16xi32>], vector<16xf32>,
        %add3A_416 = arith.addi %mul3A_22, %add3A_413 : vector<16xi32>
        tpu.vector_store_idx %arg11[%add3A_416], %get3A_373 : memref<12800xf32, #tpu.memory_space<vmem>>[vector<16xi32>], vector<16xf32>,
        %add3A_417 = arith.addi %mul3A_28, %add3A_413 : vector<16xi32>
        tpu.vector_store_idx %arg11[%add3A_417], %get3A_378 : memref<12800xf32, #tpu.memory_space<vmem>>[vector<16xi32>], vector<16xf32>,
      }
      %scan3A_188 = arith.constant 50 : i32
      %add3A_189 = arith.addi %mul3A_2, %add3A_159 : i32
      %dma_start3A_190 = arith.constant 0 : i32
      %dma_start3A_191 = tpu.memref_slice %arg4[%add3A_189, %dma_start3A_190] : memref<4096x12800xf32, #tpu.memory_space<hbm>> -> memref<1x12800xf32, #tpu.memory_space<hbm>>
      %dma_start3A_192 = tpu.memref_squeeze %dma_start3A_191 : memref<1x12800xf32, #tpu.memory_space<hbm>> -> memref<12800xf32, #tpu.memory_space<hbm>>
      %dma_start3A_193 = arith.constant 0 : i32
      %dma_start3A_194 = tpu.memref_slice %arg4[%add3A_189, %dma_start3A_193] : memref<4096x12800xf32, #tpu.memory_space<hbm>> -> memref<1x12800xf32, #tpu.memory_space<hbm>>
      %dma_start3A_195 = tpu.memref_squeeze %dma_start3A_194 : memref<1x12800xf32, #tpu.memory_space<hbm>> -> memref<12800xf32, #tpu.memory_space<hbm>>
      tpu.enqueue_dma source(%arg11 : memref<12800xf32, #tpu.memory_space<vmem>>) target(%dma_start3A_195 : memref<12800xf32, #tpu.memory_space<hbm>>) target_semaphore(%arg17 : memref<!tpu.dma_semaphore, #tpu.memory_space<semaphore_mem>>)
      %add3A_196 = arith.constant 4 : i32
      %add3A_197 = arith.addi %add3A_159, %add3A_196 : i32
      %lt3A_198 = arith.constant 128 : i32
      %lt3A_199 = arith.cmpi slt, %add3A_197, %lt3A_198 : i32
      %convert_element_type3A_200 = arith.extui %lt3A_199 : i1 to i32
      %cond3A_201 = arith.constant 0 : i32
      %cond3A_202 = arith.cmpi ne, %convert_element_type3A_200, %cond3A_201 : i32
      scf.if %cond3A_202 {
        %add3A_297 = arith.constant 4 : i32
        %add3A_298 = arith.addi %add3A_159, %add3A_297 : i32
        %mul3A_299 = arith.constant 200 : i32
        %mul3A_300 = arith.muli %add3A_298, %mul3A_299 : i32
        %add3A_301 = arith.constant 128 : i32
        %add3A_302 = arith.addi %mul3A_300, %add3A_301 : i32
        %dma_start3A_303 = arith.constant 0 : i32
        %dma_start3A_304 = arith.constant 0 : i32
        %dma_start3A_305 = tpu.memref_slice %arg7[%dma_start3A_303, %dma_start3A_304] : memref<200x64xf32, #tpu.memory_space<vmem>> -> memref<128x64xf32, #tpu.memory_space<vmem>>
        %dma_start3A_306 = tpu.memref_slice %arg5[%mul3A_300] : memref<25600xi32, #tpu.memory_space<vmem>> -> memref<128xi32, #tpu.memory_space<vmem>>
        %dma_start3A_307 = arith.constant 0 : i32
        %dma_start3A_308 = arith.constant 0 : i32
        %dma_start3A_309 = tpu.memref_slice %arg3[%dma_start3A_307, %dma_start3A_308] : memref<1000000x64xf32, #tpu.memory_space<hbm>> -> memref<1000000x64xf32, #tpu.memory_space<hbm>>
        tpu.enqueue_indirect_dma source(%dma_start3A_309 : memref<1000000x64xf32, #tpu.memory_space<hbm>>) target(%dma_start3A_305 : memref<128x64xf32, #tpu.memory_space<vmem>>) offsets(%dma_start3A_306 : memref<128xi32, #tpu.memory_space<vmem>>) semaphore(%arg13 : memref<!tpu.dma_semaphore, #tpu.memory_space<semaphore_mem>>)
        %dma_start3A_310 = arith.constant 128 : i32
        %dma_start3A_311 = arith.constant 0 : i32
        %dma_start3A_312 = tpu.memref_slice %arg7[%dma_start3A_310, %dma_start3A_311] : memref<200x64xf32, #tpu.memory_space<vmem>> -> memref<72x64xf32, #tpu.memory_space<vmem>>
        %dma_start3A_313 = tpu.memref_slice %arg5[%add3A_302] : memref<25600xi32, #tpu.memory_space<vmem>> -> memref<72xi32, #tpu.memory_space<vmem>>
        %dma_start3A_314 = arith.constant 0 : i32
        %dma_start3A_315 = arith.constant 0 : i32
        %dma_start3A_316 = tpu.memref_slice %arg3[%dma_start3A_314, %dma_start3A_315] : memref<1000000x64xf32, #tpu.memory_space<hbm>> -> memref<1000000x64xf32, #tpu.memory_space<hbm>>
        tpu.enqueue_indirect_dma source(%dma_start3A_316 : memref<1000000x64xf32, #tpu.memory_space<hbm>>) target(%dma_start3A_312 : memref<72x64xf32, #tpu.memory_space<vmem>>) offsets(%dma_start3A_313 : memref<72xi32, #tpu.memory_space<vmem>>) semaphore(%arg13 : memref<!tpu.dma_semaphore, #tpu.memory_space<semaphore_mem>>)
      } else {
      }
      %mul3A_203 = arith.constant 4 : i32
      %mul3A_204 = arith.muli %scan3A_112, %mul3A_203 : i32
      %add3A_205 = arith.constant 2 : i32
      %add3A_206 = arith.addi %mul3A_204, %add3A_205 : i32
      %mul3A_207 = arith.constant 200 : i32
      %mul3A_208 = arith.muli %add3A_206, %mul3A_207 : i32
      %add3A_209 = arith.constant 128 : i32
      %add3A_210 = arith.addi %mul3A_208, %add3A_209 : i32
      %dma_wait3A_211 = arith.constant 0 : i32
      %dma_wait3A_212 = arith.constant 0 : i32
      %dma_wait3A_213 = tpu.memref_slice %arg8[%dma_wait3A_211, %dma_wait3A_212] : memref<200x64xf32, #tpu.memory_space<vmem>> -> memref<128x64xf32, #tpu.memory_space<vmem>>
      %dma_wait3A_214 = tpu.memref_slice %arg5[%mul3A_208] : memref<25600xi32, #tpu.memory_space<vmem>> -> memref<128xi32, #tpu.memory_space<vmem>>
      %dma_wait3A_215 = arith.constant 0 : i32
      %dma_wait3A_216 = arith.constant 0 : i32
      %dma_wait3A_217 = tpu.memref_slice %arg3[%dma_wait3A_215, %dma_wait3A_216] : memref<1000000x64xf32, #tpu.memory_space<hbm>> -> memref<1000000x64xf32, #tpu.memory_space<hbm>>
      tpu.wait_indirect_dma semaphore(%arg14 : memref<!tpu.dma_semaphore, #tpu.memory_space<semaphore_mem>>) src(%dma_wait3A_217 : memref<1000000x64xf32, #tpu.memory_space<hbm>>) dst(%dma_wait3A_213 : memref<128x64xf32, #tpu.memory_space<vmem>>)
      %dma_wait3A_218 = arith.constant 128 : i32
      %dma_wait3A_219 = arith.constant 0 : i32
      %dma_wait3A_220 = tpu.memref_slice %arg8[%dma_wait3A_218, %dma_wait3A_219] : memref<200x64xf32, #tpu.memory_space<vmem>> -> memref<72x64xf32, #tpu.memory_space<vmem>>
      %dma_wait3A_221 = tpu.memref_slice %arg5[%add3A_210] : memref<25600xi32, #tpu.memory_space<vmem>> -> memref<72xi32, #tpu.memory_space<vmem>>
      %dma_wait3A_222 = arith.constant 0 : i32
      %dma_wait3A_223 = arith.constant 0 : i32
      %dma_wait3A_224 = tpu.memref_slice %arg3[%dma_wait3A_222, %dma_wait3A_223] : memref<1000000x64xf32, #tpu.memory_space<hbm>> -> memref<1000000x64xf32, #tpu.memory_space<hbm>>
      tpu.wait_indirect_dma semaphore(%arg14 : memref<!tpu.dma_semaphore, #tpu.memory_space<semaphore_mem>>) src(%dma_wait3A_224 : memref<1000000x64xf32, #tpu.memory_space<hbm>>) dst(%dma_wait3A_220 : memref<72x64xf32, #tpu.memory_space<vmem>>)
      %ge3A_225 = arith.constant 2 : i32
      %ge3A_226 = arith.cmpi sge, %add3A_206, %ge3A_225 : i32
      %convert_element_type3A_227 = arith.extui %ge3A_226 : i1 to i32
      %cond3A_228 = arith.constant 0 : i32
      %cond3A_229 = arith.cmpi ne, %convert_element_type3A_227, %cond3A_228 : i32
      scf.if %cond3A_229 {
        %sub3A = arith.constant 2 : i32
        %sub3A_297 = arith.subi %add3A_206, %sub3A : i32
        %add3A_298 = arith.addi %mul3A_2, %sub3A_297 : i32
        %dma_wait3A_299 = arith.constant 0 : i32
        %dma_wait3A_300 = tpu.memref_slice %arg4[%add3A_298, %dma_wait3A_299] : memref<4096x12800xf32, #tpu.memory_space<hbm>> -> memref<1x12800xf32, #tpu.memory_space<hbm>>
        %dma_wait3A_301 = tpu.memref_squeeze %dma_wait3A_300 : memref<1x12800xf32, #tpu.memory_space<hbm>> -> memref<12800xf32, #tpu.memory_space<hbm>>
        %dma_wait3A_302 = arith.constant 0 : i32
        %dma_wait3A_303 = tpu.memref_slice %arg4[%add3A_298, %dma_wait3A_302] : memref<4096x12800xf32, #tpu.memory_space<hbm>> -> memref<1x12800xf32, #tpu.memory_space<hbm>>
        %dma_wait3A_304 = tpu.memref_squeeze %dma_wait3A_303 : memref<1x12800xf32, #tpu.memory_space<hbm>> -> memref<12800xf32, #tpu.memory_space<hbm>>
        tpu.wait_dma2 semaphore(%arg16 : memref<!tpu.dma_semaphore, #tpu.memory_space<semaphore_mem>>) src(%arg10 : memref<12800xf32, #tpu.memory_space<vmem>>) dst(%dma_wait3A_304 : memref<12800xf32, #tpu.memory_space<hbm>>)
      } else {
      }
      %scan3A_230 = arith.constant 0 : i32
      %scan3A_231 = arith.constant 0 : i32
      %scan3A_232 = arith.constant 50 : i32
      %scan3A_233 = arith.addi %scan3A_231, %scan3A_232 : i32
      %scan3A_234 = arith.constant 1 : i32
      scf.for %scan3A_297 = %scan3A_231 to %scan3A_233 step %scan3A_234  : i32 {
        %mul3A_298 = arith.constant 4 : i32
        %mul3A_299 = arith.muli %scan3A_297, %mul3A_298 : i32
        %add3A_300 = arith.constant 0 : i32
        %add3A_301 = arith.addi %mul3A_299, %add3A_300 : i32
        %get3A = arith.index_cast %add3A_301 : i32 to index
        %get3A_302 = arith.constant 0 : index
        %get3A_303 = tpu.vector_load %arg8[%get3A, %get3A_302] {strides = array<i32>} : memref<200x64xf32, #tpu.memory_space<vmem>>, vector<16xf32>,
        %add3A_304 = arith.constant 0 : i32
        %add3A_305 = arith.addi %mul3A_299, %add3A_304 : i32
        %get3A_306 = arith.index_cast %add3A_305 : i32 to index
        %get3A_307 = arith.constant 16 : index
        %get3A_308 = tpu.vector_load %arg8[%get3A_306, %get3A_307] {strides = array<i32>} : memref<200x64xf32, #tpu.memory_space<vmem>>, vector<16xf32>,
        %add3A_309 = arith.constant 0 : i32
        %add3A_310 = arith.addi %mul3A_299, %add3A_309 : i32
        %get3A_311 = arith.index_cast %add3A_310 : i32 to index
        %get3A_312 = arith.constant 32 : index
        %get3A_313 = tpu.vector_load %arg8[%get3A_311, %get3A_312] {strides = array<i32>} : memref<200x64xf32, #tpu.memory_space<vmem>>, vector<16xf32>,
        %add3A_314 = arith.constant 0 : i32
        %add3A_315 = arith.addi %mul3A_299, %add3A_314 : i32
        %get3A_316 = arith.index_cast %add3A_315 : i32 to index
        %get3A_317 = arith.constant 48 : index
        %get3A_318 = tpu.vector_load %arg8[%get3A_316, %get3A_317] {strides = array<i32>} : memref<200x64xf32, #tpu.memory_space<vmem>>, vector<16xf32>,
        %add3A_319 = arith.constant 1 : i32
        %add3A_320 = arith.addi %mul3A_299, %add3A_319 : i32
        %get3A_321 = arith.index_cast %add3A_320 : i32 to index
        %get3A_322 = arith.constant 0 : index
        %get3A_323 = tpu.vector_load %arg8[%get3A_321, %get3A_322] {strides = array<i32>} : memref<200x64xf32, #tpu.memory_space<vmem>>, vector<16xf32>,
        %add3A_324 = arith.constant 1 : i32
        %add3A_325 = arith.addi %mul3A_299, %add3A_324 : i32
        %get3A_326 = arith.index_cast %add3A_325 : i32 to index
        %get3A_327 = arith.constant 16 : index
        %get3A_328 = tpu.vector_load %arg8[%get3A_326, %get3A_327] {strides = array<i32>} : memref<200x64xf32, #tpu.memory_space<vmem>>, vector<16xf32>,
        %add3A_329 = arith.constant 1 : i32
        %add3A_330 = arith.addi %mul3A_299, %add3A_329 : i32
        %get3A_331 = arith.index_cast %add3A_330 : i32 to index
        %get3A_332 = arith.constant 32 : index
        %get3A_333 = tpu.vector_load %arg8[%get3A_331, %get3A_332] {strides = array<i32>} : memref<200x64xf32, #tpu.memory_space<vmem>>, vector<16xf32>,
        %add3A_334 = arith.constant 1 : i32
        %add3A_335 = arith.addi %mul3A_299, %add3A_334 : i32
        %get3A_336 = arith.index_cast %add3A_335 : i32 to index
        %get3A_337 = arith.constant 48 : index
        %get3A_338 = tpu.vector_load %arg8[%get3A_336, %get3A_337] {strides = array<i32>} : memref<200x64xf32, #tpu.memory_space<vmem>>, vector<16xf32>,
        %add3A_339 = arith.constant 2 : i32
        %add3A_340 = arith.addi %mul3A_299, %add3A_339 : i32
        %get3A_341 = arith.index_cast %add3A_340 : i32 to index
        %get3A_342 = arith.constant 0 : index
        %get3A_343 = tpu.vector_load %arg8[%get3A_341, %get3A_342] {strides = array<i32>} : memref<200x64xf32, #tpu.memory_space<vmem>>, vector<16xf32>,
        %add3A_344 = arith.constant 2 : i32
        %add3A_345 = arith.addi %mul3A_299, %add3A_344 : i32
        %get3A_346 = arith.index_cast %add3A_345 : i32 to index
        %get3A_347 = arith.constant 16 : index
        %get3A_348 = tpu.vector_load %arg8[%get3A_346, %get3A_347] {strides = array<i32>} : memref<200x64xf32, #tpu.memory_space<vmem>>, vector<16xf32>,
        %add3A_349 = arith.constant 2 : i32
        %add3A_350 = arith.addi %mul3A_299, %add3A_349 : i32
        %get3A_351 = arith.index_cast %add3A_350 : i32 to index
        %get3A_352 = arith.constant 32 : index
        %get3A_353 = tpu.vector_load %arg8[%get3A_351, %get3A_352] {strides = array<i32>} : memref<200x64xf32, #tpu.memory_space<vmem>>, vector<16xf32>,
        %add3A_354 = arith.constant 2 : i32
        %add3A_355 = arith.addi %mul3A_299, %add3A_354 : i32
        %get3A_356 = arith.index_cast %add3A_355 : i32 to index
        %get3A_357 = arith.constant 48 : index
        %get3A_358 = tpu.vector_load %arg8[%get3A_356, %get3A_357] {strides = array<i32>} : memref<200x64xf32, #tpu.memory_space<vmem>>, vector<16xf32>,
        %add3A_359 = arith.constant 3 : i32
        %add3A_360 = arith.addi %mul3A_299, %add3A_359 : i32
        %get3A_361 = arith.index_cast %add3A_360 : i32 to index
        %get3A_362 = arith.constant 0 : index
        %get3A_363 = tpu.vector_load %arg8[%get3A_361, %get3A_362] {strides = array<i32>} : memref<200x64xf32, #tpu.memory_space<vmem>>, vector<16xf32>,
        %add3A_364 = arith.constant 3 : i32
        %add3A_365 = arith.addi %mul3A_299, %add3A_364 : i32
        %get3A_366 = arith.index_cast %add3A_365 : i32 to index
        %get3A_367 = arith.constant 16 : index
        %get3A_368 = tpu.vector_load %arg8[%get3A_366, %get3A_367] {strides = array<i32>} : memref<200x64xf32, #tpu.memory_space<vmem>>, vector<16xf32>,
        %add3A_369 = arith.constant 3 : i32
        %add3A_370 = arith.addi %mul3A_299, %add3A_369 : i32
        %get3A_371 = arith.index_cast %add3A_370 : i32 to index
        %get3A_372 = arith.constant 32 : index
        %get3A_373 = tpu.vector_load %arg8[%get3A_371, %get3A_372] {strides = array<i32>} : memref<200x64xf32, #tpu.memory_space<vmem>>, vector<16xf32>,
        %add3A_374 = arith.constant 3 : i32
        %add3A_375 = arith.addi %mul3A_299, %add3A_374 : i32
        %get3A_376 = arith.index_cast %add3A_375 : i32 to index
        %get3A_377 = arith.constant 48 : index
        %get3A_378 = tpu.vector_load %arg8[%get3A_376, %get3A_377] {strides = array<i32>} : memref<200x64xf32, #tpu.memory_space<vmem>>, vector<16xf32>,
        %broadcast_in_dim3A = arith.constant 0 : i32
        %broadcast_in_dim3A_379 = vector.broadcast %broadcast_in_dim3A : i32 to vector<16xi32>
        %add3A_380 = arith.constant 0 : i32
        %add3A_381 = arith.addi %mul3A_299, %add3A_380 : i32
        %add3A_382 = vector.broadcast %add3A_381 : i32 to vector<16xi32>
        %add3A_383 = arith.addi %broadcast_in_dim3A_379, %add3A_382 : vector<16xi32>
        %add3A_384 = arith.addi %mul3A_10, %add3A_383 : vector<16xi32>
        tpu.vector_store_idx %arg10[%add3A_384], %get3A_303 : memref<12800xf32, #tpu.memory_space<vmem>>[vector<16xi32>], vector<16xf32>,
        %add3A_385 = arith.addi %mul3A_16, %add3A_383 : vector<16xi32>
        tpu.vector_store_idx %arg10[%add3A_385], %get3A_308 : memref<12800xf32, #tpu.memory_space<vmem>>[vector<16xi32>], vector<16xf32>,
        %add3A_386 = arith.addi %mul3A_22, %add3A_383 : vector<16xi32>
        tpu.vector_store_idx %arg10[%add3A_386], %get3A_313 : memref<12800xf32, #tpu.memory_space<vmem>>[vector<16xi32>], vector<16xf32>,
        %add3A_387 = arith.addi %mul3A_28, %add3A_383 : vector<16xi32>
        tpu.vector_store_idx %arg10[%add3A_387], %get3A_318 : memref<12800xf32, #tpu.memory_space<vmem>>[vector<16xi32>], vector<16xf32>,
        %broadcast_in_dim3A_388 = arith.constant 0 : i32
        %broadcast_in_dim3A_389 = vector.broadcast %broadcast_in_dim3A_388 : i32 to vector<16xi32>
        %add3A_390 = arith.constant 1 : i32
        %add3A_391 = arith.addi %mul3A_299, %add3A_390 : i32
        %add3A_392 = vector.broadcast %add3A_391 : i32 to vector<16xi32>
        %add3A_393 = arith.addi %broadcast_in_dim3A_389, %add3A_392 : vector<16xi32>
        %add3A_394 = arith.addi %mul3A_10, %add3A_393 : vector<16xi32>
        tpu.vector_store_idx %arg10[%add3A_394], %get3A_323 : memref<12800xf32, #tpu.memory_space<vmem>>[vector<16xi32>], vector<16xf32>,
        %add3A_395 = arith.addi %mul3A_16, %add3A_393 : vector<16xi32>
        tpu.vector_store_idx %arg10[%add3A_395], %get3A_328 : memref<12800xf32, #tpu.memory_space<vmem>>[vector<16xi32>], vector<16xf32>,
        %add3A_396 = arith.addi %mul3A_22, %add3A_393 : vector<16xi32>
        tpu.vector_store_idx %arg10[%add3A_396], %get3A_333 : memref<12800xf32, #tpu.memory_space<vmem>>[vector<16xi32>], vector<16xf32>,
        %add3A_397 = arith.addi %mul3A_28, %add3A_393 : vector<16xi32>
        tpu.vector_store_idx %arg10[%add3A_397], %get3A_338 : memref<12800xf32, #tpu.memory_space<vmem>>[vector<16xi32>], vector<16xf32>,
        %broadcast_in_dim3A_398 = arith.constant 0 : i32
        %broadcast_in_dim3A_399 = vector.broadcast %broadcast_in_dim3A_398 : i32 to vector<16xi32>
        %add3A_400 = arith.constant 2 : i32
        %add3A_401 = arith.addi %mul3A_299, %add3A_400 : i32
        %add3A_402 = vector.broadcast %add3A_401 : i32 to vector<16xi32>
        %add3A_403 = arith.addi %broadcast_in_dim3A_399, %add3A_402 : vector<16xi32>
        %add3A_404 = arith.addi %mul3A_10, %add3A_403 : vector<16xi32>
        tpu.vector_store_idx %arg10[%add3A_404], %get3A_343 : memref<12800xf32, #tpu.memory_space<vmem>>[vector<16xi32>], vector<16xf32>,
        %add3A_405 = arith.addi %mul3A_16, %add3A_403 : vector<16xi32>
        tpu.vector_store_idx %arg10[%add3A_405], %get3A_348 : memref<12800xf32, #tpu.memory_space<vmem>>[vector<16xi32>], vector<16xf32>,
        %add3A_406 = arith.addi %mul3A_22, %add3A_403 : vector<16xi32>
        tpu.vector_store_idx %arg10[%add3A_406], %get3A_353 : memref<12800xf32, #tpu.memory_space<vmem>>[vector<16xi32>], vector<16xf32>,
        %add3A_407 = arith.addi %mul3A_28, %add3A_403 : vector<16xi32>
        tpu.vector_store_idx %arg10[%add3A_407], %get3A_358 : memref<12800xf32, #tpu.memory_space<vmem>>[vector<16xi32>], vector<16xf32>,
        %broadcast_in_dim3A_408 = arith.constant 0 : i32
        %broadcast_in_dim3A_409 = vector.broadcast %broadcast_in_dim3A_408 : i32 to vector<16xi32>
        %add3A_410 = arith.constant 3 : i32
        %add3A_411 = arith.addi %mul3A_299, %add3A_410 : i32
        %add3A_412 = vector.broadcast %add3A_411 : i32 to vector<16xi32>
        %add3A_413 = arith.addi %broadcast_in_dim3A_409, %add3A_412 : vector<16xi32>
        %add3A_414 = arith.addi %mul3A_10, %add3A_413 : vector<16xi32>
        tpu.vector_store_idx %arg10[%add3A_414], %get3A_363 : memref<12800xf32, #tpu.memory_space<vmem>>[vector<16xi32>], vector<16xf32>,
        %add3A_415 = arith.addi %mul3A_16, %add3A_413 : vector<16xi32>
        tpu.vector_store_idx %arg10[%add3A_415], %get3A_368 : memref<12800xf32, #tpu.memory_space<vmem>>[vector<16xi32>], vector<16xf32>,
        %add3A_416 = arith.addi %mul3A_22, %add3A_413 : vector<16xi32>
        tpu.vector_store_idx %arg10[%add3A_416], %get3A_373 : memref<12800xf32, #tpu.memory_space<vmem>>[vector<16xi32>], vector<16xf32>,
        %add3A_417 = arith.addi %mul3A_28, %add3A_413 : vector<16xi32>
        tpu.vector_store_idx %arg10[%add3A_417], %get3A_378 : memref<12800xf32, #tpu.memory_space<vmem>>[vector<16xi32>], vector<16xf32>,
      }
      %scan3A_235 = arith.constant 50 : i32
      %add3A_236 = arith.addi %mul3A_2, %add3A_206 : i32
      %dma_start3A_237 = arith.constant 0 : i32
      %dma_start3A_238 = tpu.memref_slice %arg4[%add3A_236, %dma_start3A_237] : memref<4096x12800xf32, #tpu.memory_space<hbm>> -> memref<1x12800xf32, #tpu.memory_space<hbm>>
      %dma_start3A_239 = tpu.memref_squeeze %dma_start3A_238 : memref<1x12800xf32, #tpu.memory_space<hbm>> -> memref<12800xf32, #tpu.memory_space<hbm>>
      %dma_start3A_240 = arith.constant 0 : i32
      %dma_start3A_241 = tpu.memref_slice %arg4[%add3A_236, %dma_start3A_240] : memref<4096x12800xf32, #tpu.memory_space<hbm>> -> memref<1x12800xf32, #tpu.memory_space<hbm>>
      %dma_start3A_242 = tpu.memref_squeeze %dma_start3A_241 : memref<1x12800xf32, #tpu.memory_space<hbm>> -> memref<12800xf32, #tpu.memory_space<hbm>>
      tpu.enqueue_dma source(%arg10 : memref<12800xf32, #tpu.memory_space<vmem>>) target(%dma_start3A_242 : memref<12800xf32, #tpu.memory_space<hbm>>) target_semaphore(%arg16 : memref<!tpu.dma_semaphore, #tpu.memory_space<semaphore_mem>>)
      %add3A_243 = arith.constant 4 : i32
      %add3A_244 = arith.addi %add3A_206, %add3A_243 : i32
      %lt3A_245 = arith.constant 128 : i32
      %lt3A_246 = arith.cmpi slt, %add3A_244, %lt3A_245 : i32
      %convert_element_type3A_247 = arith.extui %lt3A_246 : i1 to i32
      %cond3A_248 = arith.constant 0 : i32
      %cond3A_249 = arith.cmpi ne, %convert_element_type3A_247, %cond3A_248 : i32
      scf.if %cond3A_249 {
        %add3A_297 = arith.constant 4 : i32
        %add3A_298 = arith.addi %add3A_206, %add3A_297 : i32
        %mul3A_299 = arith.constant 200 : i32
        %mul3A_300 = arith.muli %add3A_298, %mul3A_299 : i32
        %add3A_301 = arith.constant 128 : i32
        %add3A_302 = arith.addi %mul3A_300, %add3A_301 : i32
        %dma_start3A_303 = arith.constant 0 : i32
        %dma_start3A_304 = arith.constant 0 : i32
        %dma_start3A_305 = tpu.memref_slice %arg8[%dma_start3A_303, %dma_start3A_304] : memref<200x64xf32, #tpu.memory_space<vmem>> -> memref<128x64xf32, #tpu.memory_space<vmem>>
        %dma_start3A_306 = tpu.memref_slice %arg5[%mul3A_300] : memref<25600xi32, #tpu.memory_space<vmem>> -> memref<128xi32, #tpu.memory_space<vmem>>
        %dma_start3A_307 = arith.constant 0 : i32
        %dma_start3A_308 = arith.constant 0 : i32
        %dma_start3A_309 = tpu.memref_slice %arg3[%dma_start3A_307, %dma_start3A_308] : memref<1000000x64xf32, #tpu.memory_space<hbm>> -> memref<1000000x64xf32, #tpu.memory_space<hbm>>
        tpu.enqueue_indirect_dma source(%dma_start3A_309 : memref<1000000x64xf32, #tpu.memory_space<hbm>>) target(%dma_start3A_305 : memref<128x64xf32, #tpu.memory_space<vmem>>) offsets(%dma_start3A_306 : memref<128xi32, #tpu.memory_space<vmem>>) semaphore(%arg14 : memref<!tpu.dma_semaphore, #tpu.memory_space<semaphore_mem>>)
        %dma_start3A_310 = arith.constant 128 : i32
        %dma_start3A_311 = arith.constant 0 : i32
        %dma_start3A_312 = tpu.memref_slice %arg8[%dma_start3A_310, %dma_start3A_311] : memref<200x64xf32, #tpu.memory_space<vmem>> -> memref<72x64xf32, #tpu.memory_space<vmem>>
        %dma_start3A_313 = tpu.memref_slice %arg5[%add3A_302] : memref<25600xi32, #tpu.memory_space<vmem>> -> memref<72xi32, #tpu.memory_space<vmem>>
        %dma_start3A_314 = arith.constant 0 : i32
        %dma_start3A_315 = arith.constant 0 : i32
        %dma_start3A_316 = tpu.memref_slice %arg3[%dma_start3A_314, %dma_start3A_315] : memref<1000000x64xf32, #tpu.memory_space<hbm>> -> memref<1000000x64xf32, #tpu.memory_space<hbm>>
        tpu.enqueue_indirect_dma source(%dma_start3A_316 : memref<1000000x64xf32, #tpu.memory_space<hbm>>) target(%dma_start3A_312 : memref<72x64xf32, #tpu.memory_space<vmem>>) offsets(%dma_start3A_313 : memref<72xi32, #tpu.memory_space<vmem>>) semaphore(%arg14 : memref<!tpu.dma_semaphore, #tpu.memory_space<semaphore_mem>>)
      } else {
      }
      %mul3A_250 = arith.constant 4 : i32
      %mul3A_251 = arith.muli %scan3A_112, %mul3A_250 : i32
      %add3A_252 = arith.constant 3 : i32
      %add3A_253 = arith.addi %mul3A_251, %add3A_252 : i32
      %mul3A_254 = arith.constant 200 : i32
      %mul3A_255 = arith.muli %add3A_253, %mul3A_254 : i32
      %add3A_256 = arith.constant 128 : i32
      %add3A_257 = arith.addi %mul3A_255, %add3A_256 : i32
      %dma_wait3A_258 = arith.constant 0 : i32
      %dma_wait3A_259 = arith.constant 0 : i32
      %dma_wait3A_260 = tpu.memref_slice %arg9[%dma_wait3A_258, %dma_wait3A_259] : memref<200x64xf32, #tpu.memory_space<vmem>> -> memref<128x64xf32, #tpu.memory_space<vmem>>
      %dma_wait3A_261 = tpu.memref_slice %arg5[%mul3A_255] : memref<25600xi32, #tpu.memory_space<vmem>> -> memref<128xi32, #tpu.memory_space<vmem>>
      %dma_wait3A_262 = arith.constant 0 : i32
      %dma_wait3A_263 = arith.constant 0 : i32
      %dma_wait3A_264 = tpu.memref_slice %arg3[%dma_wait3A_262, %dma_wait3A_263] : memref<1000000x64xf32, #tpu.memory_space<hbm>> -> memref<1000000x64xf32, #tpu.memory_space<hbm>>
      tpu.wait_indirect_dma semaphore(%arg15 : memref<!tpu.dma_semaphore, #tpu.memory_space<semaphore_mem>>) src(%dma_wait3A_264 : memref<1000000x64xf32, #tpu.memory_space<hbm>>) dst(%dma_wait3A_260 : memref<128x64xf32, #tpu.memory_space<vmem>>)
      %dma_wait3A_265 = arith.constant 128 : i32
      %dma_wait3A_266 = arith.constant 0 : i32
      %dma_wait3A_267 = tpu.memref_slice %arg9[%dma_wait3A_265, %dma_wait3A_266] : memref<200x64xf32, #tpu.memory_space<vmem>> -> memref<72x64xf32, #tpu.memory_space<vmem>>
      %dma_wait3A_268 = tpu.memref_slice %arg5[%add3A_257] : memref<25600xi32, #tpu.memory_space<vmem>> -> memref<72xi32, #tpu.memory_space<vmem>>
      %dma_wait3A_269 = arith.constant 0 : i32
      %dma_wait3A_270 = arith.constant 0 : i32
      %dma_wait3A_271 = tpu.memref_slice %arg3[%dma_wait3A_269, %dma_wait3A_270] : memref<1000000x64xf32, #tpu.memory_space<hbm>> -> memref<1000000x64xf32, #tpu.memory_space<hbm>>
      tpu.wait_indirect_dma semaphore(%arg15 : memref<!tpu.dma_semaphore, #tpu.memory_space<semaphore_mem>>) src(%dma_wait3A_271 : memref<1000000x64xf32, #tpu.memory_space<hbm>>) dst(%dma_wait3A_267 : memref<72x64xf32, #tpu.memory_space<vmem>>)
      %ge3A_272 = arith.constant 2 : i32
      %ge3A_273 = arith.cmpi sge, %add3A_253, %ge3A_272 : i32
      %convert_element_type3A_274 = arith.extui %ge3A_273 : i1 to i32
      %cond3A_275 = arith.constant 0 : i32
      %cond3A_276 = arith.cmpi ne, %convert_element_type3A_274, %cond3A_275 : i32
      scf.if %cond3A_276 {
        %sub3A = arith.constant 2 : i32
        %sub3A_297 = arith.subi %add3A_253, %sub3A : i32
        %add3A_298 = arith.addi %mul3A_2, %sub3A_297 : i32
        %dma_wait3A_299 = arith.constant 0 : i32
        %dma_wait3A_300 = tpu.memref_slice %arg4[%add3A_298, %dma_wait3A_299] : memref<4096x12800xf32, #tpu.memory_space<hbm>> -> memref<1x12800xf32, #tpu.memory_space<hbm>>
        %dma_wait3A_301 = tpu.memref_squeeze %dma_wait3A_300 : memref<1x12800xf32, #tpu.memory_space<hbm>> -> memref<12800xf32, #tpu.memory_space<hbm>>
        %dma_wait3A_302 = arith.constant 0 : i32
        %dma_wait3A_303 = tpu.memref_slice %arg4[%add3A_298, %dma_wait3A_302] : memref<4096x12800xf32, #tpu.memory_space<hbm>> -> memref<1x12800xf32, #tpu.memory_space<hbm>>
        %dma_wait3A_304 = tpu.memref_squeeze %dma_wait3A_303 : memref<1x12800xf32, #tpu.memory_space<hbm>> -> memref<12800xf32, #tpu.memory_space<hbm>>
        tpu.wait_dma2 semaphore(%arg17 : memref<!tpu.dma_semaphore, #tpu.memory_space<semaphore_mem>>) src(%arg11 : memref<12800xf32, #tpu.memory_space<vmem>>) dst(%dma_wait3A_304 : memref<12800xf32, #tpu.memory_space<hbm>>)
      } else {
      }
      %scan3A_277 = arith.constant 0 : i32
      %scan3A_278 = arith.constant 0 : i32
      %scan3A_279 = arith.constant 50 : i32
      %scan3A_280 = arith.addi %scan3A_278, %scan3A_279 : i32
      %scan3A_281 = arith.constant 1 : i32
      scf.for %scan3A_297 = %scan3A_278 to %scan3A_280 step %scan3A_281  : i32 {
        %mul3A_298 = arith.constant 4 : i32
        %mul3A_299 = arith.muli %scan3A_297, %mul3A_298 : i32
        %add3A_300 = arith.constant 0 : i32
        %add3A_301 = arith.addi %mul3A_299, %add3A_300 : i32
        %get3A = arith.index_cast %add3A_301 : i32 to index
        %get3A_302 = arith.constant 0 : index
        %get3A_303 = tpu.vector_load %arg9[%get3A, %get3A_302] {strides = array<i32>} : memref<200x64xf32, #tpu.memory_space<vmem>>, vector<16xf32>,
        %add3A_304 = arith.constant 0 : i32
        %add3A_305 = arith.addi %mul3A_299, %add3A_304 : i32
        %get3A_306 = arith.index_cast %add3A_305 : i32 to index
        %get3A_307 = arith.constant 16 : index
        %get3A_308 = tpu.vector_load %arg9[%get3A_306, %get3A_307] {strides = array<i32>} : memref<200x64xf32, #tpu.memory_space<vmem>>, vector<16xf32>,
        %add3A_309 = arith.constant 0 : i32
        %add3A_310 = arith.addi %mul3A_299, %add3A_309 : i32
        %get3A_311 = arith.index_cast %add3A_310 : i32 to index
        %get3A_312 = arith.constant 32 : index
        %get3A_313 = tpu.vector_load %arg9[%get3A_311, %get3A_312] {strides = array<i32>} : memref<200x64xf32, #tpu.memory_space<vmem>>, vector<16xf32>,
        %add3A_314 = arith.constant 0 : i32
        %add3A_315 = arith.addi %mul3A_299, %add3A_314 : i32
        %get3A_316 = arith.index_cast %add3A_315 : i32 to index
        %get3A_317 = arith.constant 48 : index
        %get3A_318 = tpu.vector_load %arg9[%get3A_316, %get3A_317] {strides = array<i32>} : memref<200x64xf32, #tpu.memory_space<vmem>>, vector<16xf32>,
        %add3A_319 = arith.constant 1 : i32
        %add3A_320 = arith.addi %mul3A_299, %add3A_319 : i32
        %get3A_321 = arith.index_cast %add3A_320 : i32 to index
        %get3A_322 = arith.constant 0 : index
        %get3A_323 = tpu.vector_load %arg9[%get3A_321, %get3A_322] {strides = array<i32>} : memref<200x64xf32, #tpu.memory_space<vmem>>, vector<16xf32>,
        %add3A_324 = arith.constant 1 : i32
        %add3A_325 = arith.addi %mul3A_299, %add3A_324 : i32
        %get3A_326 = arith.index_cast %add3A_325 : i32 to index
        %get3A_327 = arith.constant 16 : index
        %get3A_328 = tpu.vector_load %arg9[%get3A_326, %get3A_327] {strides = array<i32>} : memref<200x64xf32, #tpu.memory_space<vmem>>, vector<16xf32>,
        %add3A_329 = arith.constant 1 : i32
        %add3A_330 = arith.addi %mul3A_299, %add3A_329 : i32
        %get3A_331 = arith.index_cast %add3A_330 : i32 to index
        %get3A_332 = arith.constant 32 : index
        %get3A_333 = tpu.vector_load %arg9[%get3A_331, %get3A_332] {strides = array<i32>} : memref<200x64xf32, #tpu.memory_space<vmem>>, vector<16xf32>,
        %add3A_334 = arith.constant 1 : i32
        %add3A_335 = arith.addi %mul3A_299, %add3A_334 : i32
        %get3A_336 = arith.index_cast %add3A_335 : i32 to index
        %get3A_337 = arith.constant 48 : index
        %get3A_338 = tpu.vector_load %arg9[%get3A_336, %get3A_337] {strides = array<i32>} : memref<200x64xf32, #tpu.memory_space<vmem>>, vector<16xf32>,
        %add3A_339 = arith.constant 2 : i32
        %add3A_340 = arith.addi %mul3A_299, %add3A_339 : i32
        %get3A_341 = arith.index_cast %add3A_340 : i32 to index
        %get3A_342 = arith.constant 0 : index
        %get3A_343 = tpu.vector_load %arg9[%get3A_341, %get3A_342] {strides = array<i32>} : memref<200x64xf32, #tpu.memory_space<vmem>>, vector<16xf32>,
        %add3A_344 = arith.constant 2 : i32
        %add3A_345 = arith.addi %mul3A_299, %add3A_344 : i32
        %get3A_346 = arith.index_cast %add3A_345 : i32 to index
        %get3A_347 = arith.constant 16 : index
        %get3A_348 = tpu.vector_load %arg9[%get3A_346, %get3A_347] {strides = array<i32>} : memref<200x64xf32, #tpu.memory_space<vmem>>, vector<16xf32>,
        %add3A_349 = arith.constant 2 : i32
        %add3A_350 = arith.addi %mul3A_299, %add3A_349 : i32
        %get3A_351 = arith.index_cast %add3A_350 : i32 to index
        %get3A_352 = arith.constant 32 : index
        %get3A_353 = tpu.vector_load %arg9[%get3A_351, %get3A_352] {strides = array<i32>} : memref<200x64xf32, #tpu.memory_space<vmem>>, vector<16xf32>,
        %add3A_354 = arith.constant 2 : i32
        %add3A_355 = arith.addi %mul3A_299, %add3A_354 : i32
        %get3A_356 = arith.index_cast %add3A_355 : i32 to index
        %get3A_357 = arith.constant 48 : index
        %get3A_358 = tpu.vector_load %arg9[%get3A_356, %get3A_357] {strides = array<i32>} : memref<200x64xf32, #tpu.memory_space<vmem>>, vector<16xf32>,
        %add3A_359 = arith.constant 3 : i32
        %add3A_360 = arith.addi %mul3A_299, %add3A_359 : i32
        %get3A_361 = arith.index_cast %add3A_360 : i32 to index
        %get3A_362 = arith.constant 0 : index
        %get3A_363 = tpu.vector_load %arg9[%get3A_361, %get3A_362] {strides = array<i32>} : memref<200x64xf32, #tpu.memory_space<vmem>>, vector<16xf32>,
        %add3A_364 = arith.constant 3 : i32
        %add3A_365 = arith.addi %mul3A_299, %add3A_364 : i32
        %get3A_366 = arith.index_cast %add3A_365 : i32 to index
        %get3A_367 = arith.constant 16 : index
        %get3A_368 = tpu.vector_load %arg9[%get3A_366, %get3A_367] {strides = array<i32>} : memref<200x64xf32, #tpu.memory_space<vmem>>, vector<16xf32>,
        %add3A_369 = arith.constant 3 : i32
        %add3A_370 = arith.addi %mul3A_299, %add3A_369 : i32
        %get3A_371 = arith.index_cast %add3A_370 : i32 to index
        %get3A_372 = arith.constant 32 : index
        %get3A_373 = tpu.vector_load %arg9[%get3A_371, %get3A_372] {strides = array<i32>} : memref<200x64xf32, #tpu.memory_space<vmem>>, vector<16xf32>,
        %add3A_374 = arith.constant 3 : i32
        %add3A_375 = arith.addi %mul3A_299, %add3A_374 : i32
        %get3A_376 = arith.index_cast %add3A_375 : i32 to index
        %get3A_377 = arith.constant 48 : index
        %get3A_378 = tpu.vector_load %arg9[%get3A_376, %get3A_377] {strides = array<i32>} : memref<200x64xf32, #tpu.memory_space<vmem>>, vector<16xf32>,
        %broadcast_in_dim3A = arith.constant 0 : i32
        %broadcast_in_dim3A_379 = vector.broadcast %broadcast_in_dim3A : i32 to vector<16xi32>
        %add3A_380 = arith.constant 0 : i32
        %add3A_381 = arith.addi %mul3A_299, %add3A_380 : i32
        %add3A_382 = vector.broadcast %add3A_381 : i32 to vector<16xi32>
        %add3A_383 = arith.addi %broadcast_in_dim3A_379, %add3A_382 : vector<16xi32>
        %add3A_384 = arith.addi %mul3A_10, %add3A_383 : vector<16xi32>
        tpu.vector_store_idx %arg11[%add3A_384], %get3A_303 : memref<12800xf32, #tpu.memory_space<vmem>>[vector<16xi32>], vector<16xf32>,
        %add3A_385 = arith.addi %mul3A_16, %add3A_383 : vector<16xi32>
        tpu.vector_store_idx %arg11[%add3A_385], %get3A_308 : memref<12800xf32, #tpu.memory_space<vmem>>[vector<16xi32>], vector<16xf32>,
        %add3A_386 = arith.addi %mul3A_22, %add3A_383 : vector<16xi32>
        tpu.vector_store_idx %arg11[%add3A_386], %get3A_313 : memref<12800xf32, #tpu.memory_space<vmem>>[vector<16xi32>], vector<16xf32>,
        %add3A_387 = arith.addi %mul3A_28, %add3A_383 : vector<16xi32>
        tpu.vector_store_idx %arg11[%add3A_387], %get3A_318 : memref<12800xf32, #tpu.memory_space<vmem>>[vector<16xi32>], vector<16xf32>,
        %broadcast_in_dim3A_388 = arith.constant 0 : i32
        %broadcast_in_dim3A_389 = vector.broadcast %broadcast_in_dim3A_388 : i32 to vector<16xi32>
        %add3A_390 = arith.constant 1 : i32
        %add3A_391 = arith.addi %mul3A_299, %add3A_390 : i32
        %add3A_392 = vector.broadcast %add3A_391 : i32 to vector<16xi32>
        %add3A_393 = arith.addi %broadcast_in_dim3A_389, %add3A_392 : vector<16xi32>
        %add3A_394 = arith.addi %mul3A_10, %add3A_393 : vector<16xi32>
        tpu.vector_store_idx %arg11[%add3A_394], %get3A_323 : memref<12800xf32, #tpu.memory_space<vmem>>[vector<16xi32>], vector<16xf32>,
        %add3A_395 = arith.addi %mul3A_16, %add3A_393 : vector<16xi32>
        tpu.vector_store_idx %arg11[%add3A_395], %get3A_328 : memref<12800xf32, #tpu.memory_space<vmem>>[vector<16xi32>], vector<16xf32>,
        %add3A_396 = arith.addi %mul3A_22, %add3A_393 : vector<16xi32>
        tpu.vector_store_idx %arg11[%add3A_396], %get3A_333 : memref<12800xf32, #tpu.memory_space<vmem>>[vector<16xi32>], vector<16xf32>,
        %add3A_397 = arith.addi %mul3A_28, %add3A_393 : vector<16xi32>
        tpu.vector_store_idx %arg11[%add3A_397], %get3A_338 : memref<12800xf32, #tpu.memory_space<vmem>>[vector<16xi32>], vector<16xf32>,
        %broadcast_in_dim3A_398 = arith.constant 0 : i32
        %broadcast_in_dim3A_399 = vector.broadcast %broadcast_in_dim3A_398 : i32 to vector<16xi32>
        %add3A_400 = arith.constant 2 : i32
        %add3A_401 = arith.addi %mul3A_299, %add3A_400 : i32
        %add3A_402 = vector.broadcast %add3A_401 : i32 to vector<16xi32>
        %add3A_403 = arith.addi %broadcast_in_dim3A_399, %add3A_402 : vector<16xi32>
        %add3A_404 = arith.addi %mul3A_10, %add3A_403 : vector<16xi32>
        tpu.vector_store_idx %arg11[%add3A_404], %get3A_343 : memref<12800xf32, #tpu.memory_space<vmem>>[vector<16xi32>], vector<16xf32>,
        %add3A_405 = arith.addi %mul3A_16, %add3A_403 : vector<16xi32>
        tpu.vector_store_idx %arg11[%add3A_405], %get3A_348 : memref<12800xf32, #tpu.memory_space<vmem>>[vector<16xi32>], vector<16xf32>,
        %add3A_406 = arith.addi %mul3A_22, %add3A_403 : vector<16xi32>
        tpu.vector_store_idx %arg11[%add3A_406], %get3A_353 : memref<12800xf32, #tpu.memory_space<vmem>>[vector<16xi32>], vector<16xf32>,
        %add3A_407 = arith.addi %mul3A_28, %add3A_403 : vector<16xi32>
        tpu.vector_store_idx %arg11[%add3A_407], %get3A_358 : memref<12800xf32, #tpu.memory_space<vmem>>[vector<16xi32>], vector<16xf32>,
        %broadcast_in_dim3A_408 = arith.constant 0 : i32
        %broadcast_in_dim3A_409 = vector.broadcast %broadcast_in_dim3A_408 : i32 to vector<16xi32>
        %add3A_410 = arith.constant 3 : i32
        %add3A_411 = arith.addi %mul3A_299, %add3A_410 : i32
        %add3A_412 = vector.broadcast %add3A_411 : i32 to vector<16xi32>
        %add3A_413 = arith.addi %broadcast_in_dim3A_409, %add3A_412 : vector<16xi32>
        %add3A_414 = arith.addi %mul3A_10, %add3A_413 : vector<16xi32>
        tpu.vector_store_idx %arg11[%add3A_414], %get3A_363 : memref<12800xf32, #tpu.memory_space<vmem>>[vector<16xi32>], vector<16xf32>,
        %add3A_415 = arith.addi %mul3A_16, %add3A_413 : vector<16xi32>
        tpu.vector_store_idx %arg11[%add3A_415], %get3A_368 : memref<12800xf32, #tpu.memory_space<vmem>>[vector<16xi32>], vector<16xf32>,
        %add3A_416 = arith.addi %mul3A_22, %add3A_413 : vector<16xi32>
        tpu.vector_store_idx %arg11[%add3A_416], %get3A_373 : memref<12800xf32, #tpu.memory_space<vmem>>[vector<16xi32>], vector<16xf32>,
        %add3A_417 = arith.addi %mul3A_28, %add3A_413 : vector<16xi32>
        tpu.vector_store_idx %arg11[%add3A_417], %get3A_378 : memref<12800xf32, #tpu.memory_space<vmem>>[vector<16xi32>], vector<16xf32>,
      }
      %scan3A_282 = arith.constant 50 : i32
      %add3A_283 = arith.addi %mul3A_2, %add3A_253 : i32
      %dma_start3A_284 = arith.constant 0 : i32
      %dma_start3A_285 = tpu.memref_slice %arg4[%add3A_283, %dma_start3A_284] : memref<4096x12800xf32, #tpu.memory_space<hbm>> -> memref<1x12800xf32, #tpu.memory_space<hbm>>
      %dma_start3A_286 = tpu.memref_squeeze %dma_start3A_285 : memref<1x12800xf32, #tpu.memory_space<hbm>> -> memref<12800xf32, #tpu.memory_space<hbm>>
      %dma_start3A_287 = arith.constant 0 : i32
      %dma_start3A_288 = tpu.memref_slice %arg4[%add3A_283, %dma_start3A_287] : memref<4096x12800xf32, #tpu.memory_space<hbm>> -> memref<1x12800xf32, #tpu.memory_space<hbm>>
      %dma_start3A_289 = tpu.memref_squeeze %dma_start3A_288 : memref<1x12800xf32, #tpu.memory_space<hbm>> -> memref<12800xf32, #tpu.memory_space<hbm>>
      tpu.enqueue_dma source(%arg11 : memref<12800xf32, #tpu.memory_space<vmem>>) target(%dma_start3A_289 : memref<12800xf32, #tpu.memory_space<hbm>>) target_semaphore(%arg17 : memref<!tpu.dma_semaphore, #tpu.memory_space<semaphore_mem>>)
      %add3A_290 = arith.constant 4 : i32
      %add3A_291 = arith.addi %add3A_253, %add3A_290 : i32
      %lt3A_292 = arith.constant 128 : i32
      %lt3A_293 = arith.cmpi slt, %add3A_291, %lt3A_292 : i32
      %convert_element_type3A_294 = arith.extui %lt3A_293 : i1 to i32
      %cond3A_295 = arith.constant 0 : i32
      %cond3A_296 = arith.cmpi ne, %convert_element_type3A_294, %cond3A_295 : i32
      scf.if %cond3A_296 {
        %add3A_297 = arith.constant 4 : i32
        %add3A_298 = arith.addi %add3A_253, %add3A_297 : i32
        %mul3A_299 = arith.constant 200 : i32
        %mul3A_300 = arith.muli %add3A_298, %mul3A_299 : i32
        %add3A_301 = arith.constant 128 : i32
        %add3A_302 = arith.addi %mul3A_300, %add3A_301 : i32
        %dma_start3A_303 = arith.constant 0 : i32
        %dma_start3A_304 = arith.constant 0 : i32
        %dma_start3A_305 = tpu.memref_slice %arg9[%dma_start3A_303, %dma_start3A_304] : memref<200x64xf32, #tpu.memory_space<vmem>> -> memref<128x64xf32, #tpu.memory_space<vmem>>
        %dma_start3A_306 = tpu.memref_slice %arg5[%mul3A_300] : memref<25600xi32, #tpu.memory_space<vmem>> -> memref<128xi32, #tpu.memory_space<vmem>>
        %dma_start3A_307 = arith.constant 0 : i32
        %dma_start3A_308 = arith.constant 0 : i32
        %dma_start3A_309 = tpu.memref_slice %arg3[%dma_start3A_307, %dma_start3A_308] : memref<1000000x64xf32, #tpu.memory_space<hbm>> -> memref<1000000x64xf32, #tpu.memory_space<hbm>>
        tpu.enqueue_indirect_dma source(%dma_start3A_309 : memref<1000000x64xf32, #tpu.memory_space<hbm>>) target(%dma_start3A_305 : memref<128x64xf32, #tpu.memory_space<vmem>>) offsets(%dma_start3A_306 : memref<128xi32, #tpu.memory_space<vmem>>) semaphore(%arg15 : memref<!tpu.dma_semaphore, #tpu.memory_space<semaphore_mem>>)
        %dma_start3A_310 = arith.constant 128 : i32
        %dma_start3A_311 = arith.constant 0 : i32
        %dma_start3A_312 = tpu.memref_slice %arg9[%dma_start3A_310, %dma_start3A_311] : memref<200x64xf32, #tpu.memory_space<vmem>> -> memref<72x64xf32, #tpu.memory_space<vmem>>
        %dma_start3A_313 = tpu.memref_slice %arg5[%add3A_302] : memref<25600xi32, #tpu.memory_space<vmem>> -> memref<72xi32, #tpu.memory_space<vmem>>
        %dma_start3A_314 = arith.constant 0 : i32
        %dma_start3A_315 = arith.constant 0 : i32
        %dma_start3A_316 = tpu.memref_slice %arg3[%dma_start3A_314, %dma_start3A_315] : memref<1000000x64xf32, #tpu.memory_space<hbm>> -> memref<1000000x64xf32, #tpu.memory_space<hbm>>
        tpu.enqueue_indirect_dma source(%dma_start3A_316 : memref<1000000x64xf32, #tpu.memory_space<hbm>>) target(%dma_start3A_312 : memref<72x64xf32, #tpu.memory_space<vmem>>) offsets(%dma_start3A_313 : memref<72xi32, #tpu.memory_space<vmem>>) semaphore(%arg15 : memref<!tpu.dma_semaphore, #tpu.memory_space<semaphore_mem>>)
      } else {
      }
    }
    %scan3A_96 = arith.constant 32 : i32
    %add3A_97 = arith.constant 126 : i32
    %add3A_98 = arith.addi %mul3A_2, %add3A_97 : i32
    %dma_wait3A = arith.constant 0 : i32
    %dma_wait3A_99 = tpu.memref_slice %arg4[%add3A_98, %dma_wait3A] : memref<4096x12800xf32, #tpu.memory_space<hbm>> -> memref<1x12800xf32, #tpu.memory_space<hbm>>
    %dma_wait3A_100 = tpu.memref_squeeze %dma_wait3A_99 : memref<1x12800xf32, #tpu.memory_space<hbm>> -> memref<12800xf32, #tpu.memory_space<hbm>>
    %dma_wait3A_101 = arith.constant 0 : i32
    %dma_wait3A_102 = tpu.memref_slice %arg4[%add3A_98, %dma_wait3A_101] : memref<4096x12800xf32, #tpu.memory_space<hbm>> -> memref<1x12800xf32, #tpu.memory_space<hbm>>
    %dma_wait3A_103 = tpu.memref_squeeze %dma_wait3A_102 : memref<1x12800xf32, #tpu.memory_space<hbm>> -> memref<12800xf32, #tpu.memory_space<hbm>>
    tpu.wait_dma2 semaphore(%arg16 : memref<!tpu.dma_semaphore, #tpu.memory_space<semaphore_mem>>) src(%arg10 : memref<12800xf32, #tpu.memory_space<vmem>>) dst(%dma_wait3A_103 : memref<12800xf32, #tpu.memory_space<hbm>>)
    %add3A_104 = arith.constant 127 : i32
    %add3A_105 = arith.addi %mul3A_2, %add3A_104 : i32
    %dma_wait3A_106 = arith.constant 0 : i32
    %dma_wait3A_107 = tpu.memref_slice %arg4[%add3A_105, %dma_wait3A_106] : memref<4096x12800xf32, #tpu.memory_space<hbm>> -> memref<1x12800xf32, #tpu.memory_space<hbm>>
    %dma_wait3A_108 = tpu.memref_squeeze %dma_wait3A_107 : memref<1x12800xf32, #tpu.memory_space<hbm>> -> memref<12800xf32, #tpu.memory_space<hbm>>
    %dma_wait3A_109 = arith.constant 0 : i32
    %dma_wait3A_110 = tpu.memref_slice %arg4[%add3A_105, %dma_wait3A_109] : memref<4096x12800xf32, #tpu.memory_space<hbm>> -> memref<1x12800xf32, #tpu.memory_space<hbm>>
    %dma_wait3A_111 = tpu.memref_squeeze %dma_wait3A_110 : memref<1x12800xf32, #tpu.memory_space<hbm>> -> memref<12800xf32, #tpu.memory_space<hbm>>
    tpu.wait_dma2 semaphore(%arg17 : memref<!tpu.dma_semaphore, #tpu.memory_space<semaphore_mem>>) src(%arg11 : memref<12800xf32, #tpu.memory_space<vmem>>) dst(%dma_wait3A_111 : memref<12800xf32, #tpu.memory_space<hbm>>)
    return
  }
}

</mosaic_0001>

<sc_bundles>
// kernel: kernel.3.cloned.1.call-start
scs
__scs_entry_jumppad:
0x0: {  	(pc) =	sbr.rel $0x88, $3  }
0x1: {  	(tag) =	ssettag $0x0;
	lr =	simm.s32 $0x1  }
0x2: {  	[smem:$0x3F9F] =	sst lr;
	_ =	strace $0xD0000000  }
0x3: {  	_ = 	snop  }
0x4: {  	_ = 	snop  }
0x5: {  	_ = 	snop  }
0x6: {  	_ = 	snop  }
0x7: {  	_ = 	snop  }
__scs_overlays_trampoline_lowered:
0x8: {  	[smem:$0x3FAE] =	sst s0  }
0x9: {  	[smem:$0x3FAF] =	sst s1  }
0xa: {  	[smem:$0x3FB0] =	sst s2  }
0xb: {  	[smem:$0x3FB1] =	sst s3  }
0xc: {  	[smem:$0x3FB2] =	sst s4  }
0xd: {  	[smem:$0x3FB3] =	sst s5  }
0xe: {  	[smem:$0x3FB4] =	sst s6  }
0xf: {  	[smem:$0x3FB5] =	sst s7  }
0x10: {  	[smem:$0x3FB6] =	sst s8  }
0x11: {  	[smem:$0x3FB7] =	sst s9;
	s0 =	simm.s32 @!p0 $0x0  }
0x12: {  	s1 =	sld [smem:$0x3F9D];
	s0 =	simm.s32 @p0 $0x1  }
0x13: {  	[smem:$0x3FB8] =	sst s0;
	s0 =	simm.s32 @!p1 $0x0  }
0x14: {  	s2 =	sld [smem:$0x3F9C];
	s0 =	simm.s32 @p1 $0x1  }
0x15: {  	[smem:$0x3FB9] =	sst s0;
	s0 =	simm.s32 @!p2 $0x0  }
0x16: {  	s3 =	sld [smem:$0x3FDB];
	s0 =	simm.s32 @p2 $0x1  }
0x17: {  	s4 =	simm.s32 $0x1BF5;
	[smem:$0x3FBB] =	sst s0  }
0x18: {  	s0 =	sld [smem:$0x3F9E];
	_ =	swait.ge [sflag:s4], $0x0  }
0x19: {  	s7 =	sld [smem:$0x3F9F]  }
0x1a: {  	s8 =	sadd.s32 $0xFFFFE003, lr  }
0x1b: {  	s9 =	sadd.s32 $0xFFFFFEF7, lr;
	s5 =	simm.s32 $0xFFFFFFFF;
	p2 =	slt.u32 s8, $0xFFFFF086  }
0x1c: {  	p1 =	slt.u32 s9, $0xF7A;
	s5 =	simm.s32 @!p2 $0x0  }
0x1d: {  	s5 =	simm.s32 @p1 $0x1;
	p0 =	seq.s32 s7, s2  }
0x1e: {  	s7 =	smul.u32 @!p0 $0xF7A, s2;
	p2 =	seq.s32 @!p0 s5, $0x0  }
0x1f: {  	s9 =	smul.u32 $0xF7A, s1;
	s8 =	simm.s32 @!p0 $0x1BF5;
	p2 =	por !p2, p0  }
0x20: {  	[sflag:s8] =	ssyncset.s32 @!p0 $0xFFFFF086;
	s6 =	sadd.s32 @!p0 s3, s7;
	s7 =	simm.s32 @!p0 $0x108  }
0x21: {  	s3 =	sadd.s32 s3, s9;
	s6 =	sadd.s32 @!p0 $0x88, s6;
	s7 =	simm.s32 @p2 $0x1082  }
0x22: {  	[simem:s7], [sflag:s8] =	dma.local @!p0 [hbm:s6], $0xF7A  }
0x23: {  	s9 =	sor.u32 $0xD0000000, s2;
	s6 =	simm.s32 $0x108;
	_ =	swait.ge @!p0 [sflag:s8], $0x0  }
0x24: {  	s3 =	sadd.s32 $0x88, s3;
	s6 =	simm.s32 @!p1 $0x1082;
	[sflag:s4] =	ssyncset.s32 $0xFFFFF086  }
0x25: {  	[simem:s6], [sflag:s4] =	dma.local [hbm:s3], $0xF7A  }
0x26: {  	[smem:$0x3F9F] =	sst s1;
	(tag) =	ssettag s2;
	_ =	strace s9  }
0x27: {  	s1 =	sld [smem:$0x3FAF]  }
0x28: {  	s2 =	sld [smem:$0x3FB0]  }
0x29: {  	s4 =	sld [smem:$0x3FB2]  }
0x2a: {  	p0 =	seq.s32 s5, $0x0;
	s5 =	sld [smem:$0x3FB3]  }
0x2b: {  	s6 =	sld [smem:$0x3FB4]  }
0x2c: {  	s7 =	sld [smem:$0x3FB5]  }
0x2d: {  	s3 =	simm.s32 $0x108;
	s8 =	sld [smem:$0x3FB6]  }
0x2e: {  	s3 =	simm.s32 @!p0 $0x1082;
	s9 =	sld [smem:$0x3FB7]  }
0x2f: {  	lr =	sadd.s32 s0, s3;
	s0 =	sld [smem:$0x3FAE]  }
0x30: {  	s3 =	sld [smem:$0x3FB1]  }
0x31: {  	[smem:$0x3FBA] =	sst s10  }
0x32: {  	s10 =	sld [smem:$0x3FB8];
	_ =	sdelay $0x3  }
0x33: {  	p0 =	seq.s32 s10, $0x1;
	s10 =	sld [smem:$0x3FBA];
	_ =	sdelay $0x3  }
0x34: {  	[smem:$0x3FBA] =	sst s10  }
0x35: {  	s10 =	sld [smem:$0x3FB9];
	_ =	sdelay $0x3  }
0x36: {  	p1 =	seq.s32 s10, $0x1;
	s10 =	sld [smem:$0x3FBA];
	_ =	sdelay $0x3  }
0x37: {  	[smem:$0x3FBA] =	sst s10  }
0x38: {  	s10 =	sld [smem:$0x3FBB]  }
0x39: {  	_ = 	snop;
	(pc) =	sbr.ind lr, $3  }
0x3a: {  	_ = 	snop  }
0x3b: {  	_ = 	snop  }
0x3c: {  	p2 =	seq.s32 s10, $0x1;
	s10 =	sld [smem:$0x3FBA]  }
0x3d: {  	_ =	shalt  }
0x3e: {  	_ =	shalt  }
0x3f: {  	_ =	shalt  }
0x40: {  	_ =	shalt  }
0x41: {  	_ =	shalt  }
0x42: {  	_ =	shalt  }
0x43: {  	_ =	shalt  }
0x44: {  	_ =	shalt  }
0x45: {  	_ =	shalt  }
0x46: {  	_ =	shalt  }
0x47: {  	_ =	shalt  }
0x48: {  	_ =	shalt  }
0x49: {  	_ =	shalt  }
0x4a: {  	_ =	shalt  }
0x4b: {  	_ =	shalt  }
0x4c: {  	_ =	shalt  }
0x4d: {  	_ =	shalt  }
0x4e: {  	_ =	shalt  }
0x4f: {  	_ =	shalt  }
0x50: {  	_ =	shalt  }
0x51: {  	_ =	shalt  }
0x52: {  	_ =	shalt  }
0x53: {  	_ =	shalt  }
0x54: {  	_ =	shalt  }
0x55: {  	_ =	shalt  }
0x56: {  	_ =	shalt  }
0x57: {  	_ =	shalt  }
0x58: {  	_ =	shalt  }
0x59: {  	_ =	shalt  }
0x5a: {  	_ =	shalt  }
0x5b: {  	_ =	shalt  }
0x5c: {  	_ =	shalt  }
0x5d: {  	_ =	shalt  }
0x5e: {  	_ =	shalt  }
0x5f: {  	_ =	shalt  }
0x60: {  	_ =	shalt  }
0x61: {  	_ =	shalt  }
0x62: {  	_ =	shalt  }
0x63: {  	_ =	shalt  }
0x64: {  	_ =	shalt  }
0x65: {  	_ =	shalt  }
0x66: {  	_ =	shalt  }
0x67: {  	_ =	shalt  }
0x68: {  	_ =	shalt  }
0x69: {  	_ =	shalt  }
0x6a: {  	_ =	shalt  }
0x6b: {  	_ =	shalt  }
0x6c: {  	_ =	shalt  }
0x6d: {  	_ =	shalt  }
0x6e: {  	_ =	shalt  }
0x6f: {  	_ =	shalt  }
0x70: {  	_ =	shalt  }
0x71: {  	_ =	shalt  }
0x72: {  	_ =	shalt  }
0x73: {  	_ =	shalt  }
0x74: {  	_ =	shalt  }
0x75: {  	_ =	shalt  }
0x76: {  	_ =	shalt  }
0x77: {  	_ =	shalt  }
0x78: {  	_ =	shalt  }
0x79: {  	_ =	shalt  }
0x7a: {  	_ =	shalt  }
0x7b: {  	_ =	shalt  }
0x7c: {  	_ =	shalt  }
0x7d: {  	_ =	shalt  }
0x7e: {  	_ =	shalt  }
0x7f: {  	_ =	shalt  }
0x80: {  	_ =	shalt  }
0x81: {  	_ =	shalt  }
0x82: {  	_ =	shalt  }
0x83: {  	_ =	shalt  }
0x84: {  	_ =	shalt  }
0x85: {  	_ =	shalt  }
0x86: {  	_ =	shalt  }
0x87: {  	_ =	shalt  }
.Lfunc_end0:
.L_simem_size_0:
called_computation.1_lowered:
.L_overlay_start_0:
0x88: {  	s2 =	sld [smem:$0x3FD9]  }
0x89: {  	s3 =	sld [smem:$0x3FFE];
	_ =	sdelay $0x1  }
0x8a: {  	s1 =	srdreg.scid  }
0x8b: {  	s0 =	sand.u32 $0x1, s1  }
0x8c: {  	s17 =	sshll.u32 s0, $0xA;
	s2 =	sadd.s32 s3, s2  }
0x8d: {  	s2 =	sadd.s32 s2, s17  }
0x8e: {  	[smem:$0x3FC6] =	sst s2  }
0x8f: {  	_ = 	snop  }
0x90: {  	s2 =	sld [smem:$0x3FD0];
	(tm) =	ssettm $0x1  }
0x91: {  	s18 =	sld [smem:$0x3FFB];
	_ =	sdelay $0x3  }
0x92: {  	_ =	strace s18  }
0x93: {  	s3 =	sld [smem:$0x3FFC];
	_ =	sdelay $0x3  }
0x94: {  	_ =	strace s3  }
0x95: {  	s3 =	sld [smem:$0x3FFD];
	_ =	sdelay $0x3  }
0x96: {  	_ =	strace s3  }
0x97: {  	_ =	strace $0x8FFFFFFF  }
0x98: {  	s19 =	sld [smem:$0x3FDB];
	_ =	sdelay $0x1  }
0x99: {  	s4 =	simm.s32 $_scs_section_size  }
0x9a: {  	s5 =	simm.s32 $_size__tile_overlayer_lowered;
	s6 =	simm.s32 $_tile_overlayer_lowered  }
0x9b: {  	s22 =	simm.s32 $0x1BFF;
	s21 =	sshll.u32 s6, $0x1;
	s3 =	sadd.s32 s4, s19  }
0x9c: {  	s7 =	simm.s32 $0x0;
	s20 =	sshll.u32 s5, $0x1;
	s5 =	sadd.s32 s21, s3  }
0x9d: {  	[timem:s7], [sflag:s22] =	dma.local [hbm:s5], s20  }
0x9e: {  	_ =	swait.ge [sflag:s22], s20  }
0x9f: {  	s4 =	ssub.s32 $0x0, s20;
	[sflag:s22] =	ssyncset.done $0x0  }
0xa0: {  	[sflag:s22] =	ssyncadd.s32 s4;
	_ =	sdelay $0x1  }
0xa1: {  	s23 =	simm.s32 $0x1B8B  }
0xa2: {  	_ =	swait.ge [sflag:s23], $0x1  }
0xa3: {  	[sflag:s23] =	ssyncset.done $0x0  }
0xa4: {  	s25 =	simm.s32 $0x1B8E;
	s24 =	sld [smem:$0x3FFE];
	[sflag:s23] =	ssyncadd.s32 $0xFFFFFFFF  }
0xa5: {  	s26 =	simm.s32 $execute0_lowered;
	[smem:$0x3FD2] =	sst s25  }
0xa6: {  	s5 =	sshll.u32 s26, $0x1;
	_ =	strace $0x80000046;
	[dreg:$0x1] =	wrdreg $0xFFFFFFFF  }
0xa7: {  	s28 =	simm.s32 $_size_execute0_lowered;
	s3 =	sadd.s32 s3, s5;
	[dreg:$0x0] =	wrdreg $0x0  }
0xa8: {  	s5 =	sshll.u32 s28, $0x1;
	[dreg:$0x2] =	wrdreg s3  }
0xa9: {  	[dreg:$0x3] =	wrdreg s5  }
0xaa: {  	[dreg:$0x4] =	wrdreg $0xC0  }
0xab: {  	_ =	task [dreg:s7], $0x5FFFF  }
0xac: {  	[dreg:$0x1] =	wrdreg $0xFFFFFFFF  }
0xad: {  	[dreg:$0x0] =	wrdreg $0x60  }
0xae: {  	[dreg:$0x2] =	wrdreg s24  }
0xaf: {  	[dreg:$0x3] =	wrdreg s2  }
0xb0: {  	[dreg:$0x4] =	wrdreg $0x9  }
0xb1: {  	_ =	task.clear_ibuf [dreg:s7], $0x5FFFF;
	_ =	strace $0x90000046  }
0xb2: {  	s29 =	simm.s32 $0x9;
	_ =	strace $0x80000048  }
0xb3: {  	_ =	swait.ge [sflag:s29], $0x1  }
0xb4: {  	[sflag:s29] =	ssyncadd.s32 $0xFFFFFFFF  }
0xb5: {  	_ =	strace $0x90000048  }
0xb6: {  	_ =	sfence  }
0xb7: {  	s30 =	sld [smem:$0x0];
	_ =	sdelay $0x2  }
0xb8: {  	s31 =	sshll.u32 s1, $0xD;
	s1 =	sshrl.u32 s1, $0x2  }
0xb9: {  	s3 =	sand.u32 $0x4000, s31;
	s1 =	sadd.s32 s1, s30  }
0xba: {  	s0 =	sor.u32 s3, s0;
	s1 =	sshll.u32 s1, $0x11  }
0xbb: {  	s0 =	sor.u32 s1, s0  }
0xbc: {  	s0 =	sadd.s32 $0x8F2B, s0  }
0xbd: {  	[sflag:s0] =	ssyncadd.remote.s32 $0x1  }
0xbe: {  	_ =	sfence.sel $0xFFFF  }
0xbf: {  	[dreg:$0x0] =	wrdreg $0xFFFFFFFF;
	(pc) =	sbr.abs _section_cstart, $3  }
0xc0: {  	[dreg:$0x1] =	wrdreg $0xFFFFFFFF  }
0xc1: {  	_ =	task.clear_ibuf [dreg:s7], $0x2FFFF;
	_ =	strace $0x9FFFFFFF  }
0xc2: {  	(tm) =	ssettm $0x7FFFFFFF  }
0xc3: {  	_ =	shalt  }
tec
execute0_lowered:
.L_overlay_start_1:
0x0: {  	(tag) =	ssettag $0x1  }
0x1: {  	s0 =	srdreg.scid  }
0x2: {  	s2 =	stileid.u32;
	s1 =	rddreg [dreg:$0x0]  }
0x3: {  	s8 =	simm.s32 $0x7;
	s9 =	simm.s32 $0x80;
	s11 =	simm.s32 $0x48  }
0x4: {  	s20 =	simm.s32 $0xE800;
	s21 =	simm.s32 $0x258;
	s22 =	simm.s32 $0xFA00  }
0x5: {  	s23 =	simm.s32 $0x2D8;
	s24 =	simm.s32 $0x11A00;
	s25 =	simm.s32 $0x1  }
0x6: {  	s26 =	simm.s32 $0x12C00;
	s28 =	simm.s32 $0x2;
	s29 =	simm.s32 $0x15E00  }
0x7: {  	s30 =	simm.s32 $0x5;
	s0 =	sand.u32 $0x1, s0;
	s3 =	sshll.u32 s2, $0x1  }
0x8: {  	s31 =	simm.s32 $0x4;
	s2 =	rddreg [dreg:$0x1];
	s5 =	sor.u32 s0, s3  }
.Ltmp0:
0x9: {  	s3 =	simm.s32 $0x0;
	s0 =	ssub.s32 $0x2, s0;
	(pc) =	sbr.rel .LBB2_1-.Ltmp0, $4  }
0xa: {  	v0 =	vlaneseq.u32;
	s4 =	smul.u32 $0xC80, s5;
	[smem:$0x7FF] =	sst s3;
	s7 =	sshrl.u32 s0, $0x1  }
0xb: {  	v0 =	vmul.u32 $0xC8, v0;
	s5 =	sshll.u32 s5, $0x7;
	_ =	strace $0x80000047;
	s0 =	ssub.s32 s0, s7  }
0xc: {  	s6 =	sadd.s32 s4, s1;
	s4 =	sadd.s32 $0xF42E00, s1;
	s7 =	smax.u32 s0, $0x1  }
0xd: {  	v1 =	vadd.s32 $0xC80, v0;
	v2 =	vadd.s32 $0x1900, v0;
	v3 =	vadd.s32 $0x2580, v0;
	s1 =	simm.s32 $0x6;
	s0 =	simm.s32 $0x0;
	s6 =	sadd.s32 $0xA00, s6  }
.LBB2_12:
0xe: {  	s0 =	sadd.s32 $0x1, s0  }
0xf: {  	_ =	swait.ge [sflag:s30], $0x3200;
	p0 =	sne.s32 s0, s7  }
.Ltmp1:
0x10: {  	[sflag:s30] =	ssyncset.done $0x0;
	(pc) =	sbr.rel @!p0 .LBB2_13-.Ltmp1, $4  }
0x11: {  	[sflag:s30] =	ssyncadd.s32 $0xFFFFCE00  }
0x12: {  	_ =	swait.ge [sflag:s1], $0x3200  }
0x13: {  	[sflag:s1] =	ssyncset.done $0x0  }
0x14: {  	[sflag:s1] =	ssyncadd.s32 $0xFFFFCE00  }
.LBB2_1:
0x15: {  	[tilespmem:s3], [sflag:$0x7] =	stream.linear.gather [hbm4b:s6+s3], $0x6400, $0x38;
	[tilespmem:$0x19000] =	vst v63  }
0x16: {  	_ =	swait.ge [sflag:s8], $0x6400  }
0x17: {  	[sflag:s8] =	ssyncset.done $0x0  }
0x18: {  	s10 =	simm.s32 $0x6400;
	[sflag:s8] =	ssyncadd.s32 $0xFFFF9C00  }
0x19: {  	[tilespmem:s10], [sflag:$0x1] =	stream.indirect.gather [hbm4b:s4+s9], $0x40, s3, s9, $0xb8;
	[tilespmem:$0x19000] =	vst v63  }
0x1a: {  	s13 =	simm.s32 $0x8400  }
0x1b: {  	[tilespmem:s13], [sflag:$0x1] =	stream.indirect.gather [hbm4b:s4+s11], $0x40, s9, s11, $0xb8;
	[tilespmem:$0x19000] =	vst v63  }
0x1c: {  	s14 =	simm.s32 $0xC8;
	s12 =	simm.s32 $0x9600  }
0x1d: {  	[tilespmem:s12], [sflag:$0x2] =	stream.indirect.gather [hbm4b:s4+s9], $0x40, s14, s9, $0xb8;
	[tilespmem:$0x19000] =	vst v63  }
0x1e: {  	s15 =	simm.s32 $0x148;
	s16 =	simm.s32 $0xB600  }
0x1f: {  	[tilespmem:s16], [sflag:$0x2] =	stream.indirect.gather [hbm4b:s4+s11], $0x40, s15, s11, $0xb8;
	[tilespmem:$0x19000] =	vst v63  }
0x20: {  	s17 =	simm.s32 $0x190;
	s18 =	simm.s32 $0xC800  }
0x21: {  	[tilespmem:s18], [sflag:$0x3] =	stream.indirect.gather [hbm4b:s4+s9], $0x40, s17, s9, $0xb8;
	[tilespmem:$0x19000] =	vst v63  }
0x22: {  	s19 =	simm.s32 $0x210  }
0x23: {  	[tilespmem:s20], [sflag:$0x3] =	stream.indirect.gather [hbm4b:s4+s11], $0x40, s19, s11, $0xb8;
	[tilespmem:$0x19000] =	vst v63  }
0x24: {  	_ = 	snop  }
0x25: {  	[tilespmem:s22], [sflag:$0x4] =	stream.indirect.gather [hbm4b:s4+s9], $0x40, s21, s9, $0xb8;
	[tilespmem:$0x19000] =	vst v63  }
0x26: {  	s10 =	simm.s32 $0x0  }
0x27: {  	[tilespmem:s24], [sflag:$0x4] =	stream.indirect.gather [hbm4b:s4+s11], $0x40, s23, s11, $0xb8;
	[tilespmem:$0x19000] =	vst v63  }
.LBB2_2:
0x28: {  	_ =	swait.ge [sflag:s25], $0x2000  }
0x29: {  	[sflag:s25] =	ssyncset.done $0x0  }
0x2a: {  	[sflag:s25] =	ssyncadd.s32 $0xFFFFE000  }
0x2b: {  	_ =	swait.ge [sflag:s25], $0x1200  }
0x2c: {  	p1 =	seq.s32 s10, $0x0;
	[sflag:s25] =	ssyncset.done $0x0  }
0x2d: {  	s12 =	simm.s32 @!p1 $0x5;
	[sflag:s25] =	ssyncadd.s32 $0xFFFFEE00  }
0x2e: {  	_ =	swait.ge @!p1 [sflag:s12], $0x3200  }
0x2f: {  	[sflag:s12] =	ssyncset.done @!p1 $0x0  }
0x30: {  	s13 =	simm.s32 $0x6480;
	[sflag:s12] =	ssyncadd.s32 @!p1 $0xFFFFCE00  }
0x31: {  	v7 =	vld [tilespmem:s13+$0xFFFFFFC0]  }
0x32: {  	v8 =	vld [tilespmem:s13+$0xFFFFFFB0]  }
0x33: {  	v9 =	vld [tilespmem:s13+$0xFFFFFFA0]  }
0x34: {  	v10 =	vld [tilespmem:s13+$0xFFFFFF90]  }
0x35: {  	v11 =	vld [tilespmem:s13+$0xFFFFFF80]  }
0x36: {  	v12 =	vld [tilespmem:s13+$0xFFFFFFD0]  }
0x37: {  	s18 =	simm.s32 $0x0;
	v13 =	vld [tilespmem:s13+$0xFFFFFFE0]  }
0x38: {  	v4 =	vmov s18;
	v5 =	vadd.s32 s18, v0;
	v6 =	vadd.s32 s18, v1;
	v14 =	vld [tilespmem:s13+$0xFFFFFFF0]  }
0x39: {  	s14 =	simm.s32 $0x1;
	v17 =	vadd.s32 s18, v2;
	v5 =	vand.u32 $0x1FF8, v5;
	v4 =	vand.u32 $0x4, v4;
	v15 =	vld [tilespmem:s13+$0x0]  }
0x3a: {  	v23 =	vadd.s32 s14, v0;
	v6 =	vand.u32 $0x3FF8, v6;
	v18 =	vor.u32 v4, v5;
	v16 =	vld [tilespmem:s13+$0x10]  }
0x3b: {  	v5 =	vand.u32 $0x7FF8, v17;
	v57 =	vor.u32 v4, v6;
	v6 =	vadd.s32 s18, v3;
	v19 =	vld [tilespmem:s13+$0x20]  }
0x3c: {  	v27 =	vadd.s32 s14, v2;
	v21 =	vor.u32 v4, v5;
	v5 =	vand.u32 $0x7FF8, v6;
	v20 =	vld [tilespmem:s13+$0x30]  }
0x3d: {  	v28 =	vadd.s32 s14, v3;
	v24 =	vor.u32 v4, v5;
	v5 =	vmov s14;
	v22 =	vld [tilespmem:s13+$0x40]  }
0x3e: {  	s19 =	simm.s32 $0x2;
	v23 =	vand.u32 $0x1FF8, v23;
	v6 =	vadd.s32 s14, v1;
	v25 =	vand.u32 $0x5, v5;
	v4 =	vld [tilespmem:s13+$0x50]  }
0x3f: {  	v59 =	vadd.s32 s19, v1;
	v26 =	vand.u32 $0x3FF8, v6;
	v23 =	vor.u32 v25, v23;
	v5 =	vld [tilespmem:s13+$0x60]  }
0x40: {  	v60 =	vadd.s32 s19, v0;
	v27 =	vand.u32 $0x7FF8, v27;
	v26 =	vor.u32 v25, v26;
	v6 =	vld [tilespmem:s13+$0x70];
	[tilespmem:v18+s26+$0x0] =	vst.idx.msk $0xffff, v11  }
0x41: {  	v58 =	vand.u32 $0x7FF8, v28;
	v11 =	vor.u32 v25, v27;
	[tilespmem:v57+s26+$0x0] =	vst.idx.msk $0xffff, v10;
	v10 =	vmov s19  }
0x42: {  	v18 =	vor.u32 v25, v58;
	[tilespmem:v21+s26+$0x0] =	vst.idx.msk $0xffff, v9;
	v9 =	vand.u32 $0x1FF8, v60;
	v10 =	vand.u32 $0x6, v10  }
0x43: {  	v61 =	vadd.s32 s19, v2;
	[tilespmem:v24+s26+$0x0] =	vst.idx.msk $0xffff, v8;
	v8 =	vor.u32 v10, v9;
	v9 =	vand.u32 $0x3FF8, v59  }
0x44: {  	[tilespmem:v23+s26+$0x0] =	vst.idx.msk $0xffff, v7;
	v7 =	vor.u32 v10, v9;
	v9 =	vand.u32 $0x7FF8, v61  }
0x45: {  	v62 =	vadd.s32 s19, v3;
	[tilespmem:v26+s26+$0x0] =	vst.idx.msk $0xffff, v12;
	v9 =	vor.u32 v10, v9  }
0x46: {  	v63 =	vand.u32 $0x7FF8, v62;
	[tilespmem:v11+s26+$0x0] =	vst.idx.msk $0xffff, v13  }
0x47: {  	s15 =	simm.s32 $0x3;
	v10 =	vor.u32 v10, v63;
	[tilespmem:v18+s26+$0x0] =	vst.idx.msk $0xffff, v14  }
0x48: {  	v11 =	vadd.s32 s15, v0;
	[tilespmem:v8+s26+$0x0] =	vst.idx.msk $0xffff, v15  }
0x49: {  	[tilespmem:v7+s26+$0x0] =	vst.idx.msk $0xffff, v16  }
0x4a: {  	[tilespmem:v9+s26+$0x0] =	vst.idx.msk $0xffff, v19;
	v9 =	vadd.s32 s15, v1  }
0x4b: {  	v7 =	vadd.s32 s15, v2  }
0x4c: {  	v8 =	vadd.s32 s15, v3;
	[tilespmem:v10+s26+$0x0] =	vst.idx.msk $0xffff, v20  }
0x4d: {  	s14 =	simm.s32 $0x7;
	s12 =	sshll.u32 s10, $0x2;
	[tilespmem:v11+s26+$0x0] =	vst.idx.msk $0xffff, v22  }
.LBB2_3:
0x4e: {  	p0 =	sne.s32 s14, $0xC7  }
0x4f: {  	[tilespmem:v9+s26+$0x0] =	vst.idx.msk $0xffff, v4;
	s13 =	sadd.s32 $0x100, s13;
	s15 =	smov.u32 s14;
	s14 =	sadd.s32 $0x4, s14  }
0x50: {  	[tilespmem:v7+s26+$0x0] =	vst.idx.msk $0xffff, v5  }
0x51: {  	[tilespmem:v8+s26+$0x0] =	vst.idx.msk $0xffff, v6  }
0x52: {  	v7 =	vld [tilespmem:s13+$0xFFFFFFC0]  }
0x53: {  	v8 =	vld [tilespmem:s13+$0xFFFFFFB0]  }
0x54: {  	v9 =	vld [tilespmem:s13+$0xFFFFFFA0]  }
0x55: {  	v10 =	vld [tilespmem:s13+$0xFFFFFF90]  }
0x56: {  	v11 =	vld [tilespmem:s13+$0xFFFFFF80]  }
0x57: {  	v12 =	vld [tilespmem:s13+$0xFFFFFFD0]  }
0x58: {  	s16 =	sadd.s32 $0xFFFFFFFD, s15;
	v13 =	vld [tilespmem:s13+$0xFFFFFFE0]  }
0x59: {  	v4 =	vmov s16;
	v5 =	vadd.s32 s16, v0;
	v6 =	vadd.s32 s16, v1;
	v14 =	vld [tilespmem:s13+$0xFFFFFFF0]  }
0x5a: {  	v5 =	vand.u32 $0x1FF8, v5;
	v4 =	vand.u32 $0x4, v4;
	v6 =	vand.u32 $0x3FF8, v6;
	v15 =	vld [tilespmem:s13+$0x0]  }
0x5b: {  	v17 =	vor.u32 v4, v5;
	v18 =	vor.u32 v4, v6;
	v5 =	vadd.s32 s16, v2;
	v16 =	vld [tilespmem:s13+$0x10]  }
0x5c: {  	s17 =	sadd.s32 $0xFFFFFFFE, s15;
	v6 =	vadd.s32 s16, v3;
	v5 =	vand.u32 $0x7FF8, v5;
	v19 =	vld [tilespmem:s13+$0x20]  }
0x5d: {  	v21 =	vor.u32 v4, v5;
	v5 =	vand.u32 $0x7FF8, v6;
	v6 =	vadd.s32 s17, v1;
	v20 =	vld [tilespmem:s13+$0x30]  }
0x5e: {  	v24 =	vadd.s32 s17, v0;
	v23 =	vor.u32 v4, v5;
	v5 =	vmov s17;
	v22 =	vld [tilespmem:s13+$0x40]  }
0x5f: {  	v24 =	vand.u32 $0x1FF8, v24;
	v6 =	vand.u32 $0x3FF8, v6;
	v25 =	vand.u32 $0x5, v5;
	v4 =	vld [tilespmem:s13+$0x50]  }
0x60: {  	v27 =	vadd.s32 s17, v2;
	v24 =	vor.u32 v25, v24;
	v26 =	vor.u32 v25, v6;
	v5 =	vld [tilespmem:s13+$0x60]  }
0x61: {  	v28 =	vadd.s32 s17, v3;
	v27 =	vand.u32 $0x7FF8, v27;
	s16 =	sadd.s32 $0xFFFFFFFF, s15;
	v6 =	vld [tilespmem:s13+$0x70]  }
0x62: {  	[tilespmem:v17+s26+$0x0] =	vst.idx.msk $0xffff, v11;
	v11 =	vor.u32 v25, v27;
	v17 =	vand.u32 $0x7FF8, v28;
	v27 =	vadd.s32 s16, v1  }
0x63: {  	[tilespmem:v18+s26+$0x0] =	vst.idx.msk $0xffff, v10;
	v10 =	vor.u32 v25, v17;
	v17 =	vmov s16;
	v18 =	vadd.s32 s16, v0  }
0x64: {  	[tilespmem:v21+s26+$0x0] =	vst.idx.msk $0xffff, v9;
	v9 =	vand.u32 $0x1FF8, v18;
	v17 =	vand.u32 $0x6, v17;
	v18 =	vadd.s32 s16, v2  }
0x65: {  	v21 =	vadd.s32 s16, v3;
	[tilespmem:v23+s26+$0x0] =	vst.idx.msk $0xffff, v8;
	v8 =	vor.u32 v17, v9;
	v9 =	vand.u32 $0x3FF8, v27  }
0x66: {  	[tilespmem:v24+s26+$0x0] =	vst.idx.msk $0xffff, v7;
	v7 =	vor.u32 v17, v9;
	v9 =	vand.u32 $0x7FF8, v18  }
0x67: {  	[tilespmem:v26+s26+$0x0] =	vst.idx.msk $0xffff, v12;
	v12 =	vor.u32 v17, v9;
	v9 =	vand.u32 $0x7FF8, v21  }
0x68: {  	[tilespmem:v11+s26+$0x0] =	vst.idx.msk $0xffff, v13;
	v11 =	vor.u32 v17, v9  }
0x69: {  	[tilespmem:v10+s26+$0x0] =	vst.idx.msk $0xffff, v14;
	v10 =	vadd.s32 s15, v0  }
.Ltmp2:
0x6a: {  	v9 =	vadd.s32 s15, v1;
	[tilespmem:v8+s26+$0x0] =	vst.idx.msk $0xffff, v15;
	(pc) =	sbr.rel @p0 .LBB2_3-.Ltmp2, $4  }
0x6b: {  	[tilespmem:v7+s26+$0x0] =	vst.idx.msk $0xffff, v16;
	v7 =	vadd.s32 s15, v2  }
0x6c: {  	v8 =	vadd.s32 s15, v3;
	[tilespmem:v12+s26+$0x0] =	vst.idx.msk $0xffff, v19  }
0x6d: {  	[tilespmem:v11+s26+$0x0] =	vst.idx.msk $0xffff, v20  }
0x6e: {  	[tilespmem:v10+s26+$0x0] =	vst.idx.msk $0xffff, v22  }
0x6f: {  	_ =	sdelay $0x2  }
0x70: {  	s13 =	sadd.s32 s5, s12  }
0x71: {  	[tilespmem:v9+s26+$0x0] =	vst.idx.msk $0xffff, v4;
	s13 =	smul.u32 $0x640, s13  }
0x72: {  	p0 =	seq.s32 s10, $0x1F;
	[tilespmem:v7+s26+$0x0] =	vst.idx.msk $0xffff, v5  }
0x73: {  	s14 =	smul.u32 @!p0 $0xC80, s10;
	[tilespmem:v8+s26+$0x0] =	vst.idx.msk $0xffff, v6;
	s13 =	sadd.s32 s2, s13  }
0x74: {  	[hbm4b:s13+s3] =	stream.linear.scatter [tilespmem:s26], [sflag:$0x5], $0x3200, $0x38;
	[tilespmem:$0x19000] =	vst v63  }
0x75: {  	s13 =	sshra.s32 @!p0 s14, $0x2  }
0x76: {  	s15 =	simm.s32 @!p0 $0x80;
	s16 =	simm.s32 @!p0 $0x6400;
	s14 =	sadd.s32 @!p0 $0x320, s13  }
0x77: {  	[tilespmem:s16], [sflag:$0x1] =	stream.indirect.gather @!p0 [hbm4b:s4+s15], $0x40, s14, s15, $0xb8;
	[tilespmem:$0x19000] =	vst v63  }
0x78: {  	s14 =	sadd.s32 @!p0 $0x3A0, s13;
	s15 =	simm.s32 @!p0 $0x48;
	s16 =	simm.s32 @!p0 $0x8400  }
0x79: {  	[tilespmem:s16], [sflag:$0x1] =	stream.indirect.gather @!p0 [hbm4b:s4+s15], $0x40, s14, s15, $0xb8;
	[tilespmem:$0x19000] =	vst v63  }
0x7a: {  	_ =	swait.ge [sflag:s28], $0x2000  }
0x7b: {  	[sflag:s28] =	ssyncset.done $0x0  }
0x7c: {  	[sflag:s28] =	ssyncadd.s32 $0xFFFFE000  }
0x7d: {  	_ =	swait.ge [sflag:s28], $0x1200  }
0x7e: {  	[sflag:s28] =	ssyncset.done $0x0  }
0x7f: {  	s14 =	simm.s32 @!p1 $0x6;
	[sflag:s28] =	ssyncadd.s32 $0xFFFFEE00  }
0x80: {  	_ =	swait.ge @!p1 [sflag:s14], $0x3200  }
0x81: {  	[sflag:s14] =	ssyncset.done @!p1 $0x0  }
0x82: {  	[sflag:s14] =	ssyncadd.s32 @!p1 $0xFFFFCE00;
	s14 =	simm.s32 $0x9680  }
0x83: {  	v7 =	vld [tilespmem:s14+$0xFFFFFFC0]  }
0x84: {  	v8 =	vld [tilespmem:s14+$0xFFFFFFB0]  }
0x85: {  	v9 =	vld [tilespmem:s14+$0xFFFFFFA0]  }
0x86: {  	v10 =	vld [tilespmem:s14+$0xFFFFFF90]  }
0x87: {  	v11 =	vld [tilespmem:s14+$0xFFFFFF80]  }
0x88: {  	v12 =	vld [tilespmem:s14+$0xFFFFFFD0]  }
0x89: {  	s17 =	simm.s32 $0x0;
	v13 =	vld [tilespmem:s14+$0xFFFFFFE0]  }
0x8a: {  	v4 =	vmov s17;
	v5 =	vadd.s32 s17, v0;
	v17 =	vadd.s32 s17, v2;
	v14 =	vld [tilespmem:s14+$0xFFFFFFF0]  }
0x8b: {  	s18 =	simm.s32 $0x1;
	v6 =	vadd.s32 s17, v1;
	v5 =	vand.u32 $0x1FF8, v5;
	v4 =	vand.u32 $0x4, v4;
	v15 =	vld [tilespmem:s14+$0x0]  }
0x8c: {  	v23 =	vadd.s32 s18, v0;
	v6 =	vand.u32 $0x3FF8, v6;
	v18 =	vor.u32 v4, v5;
	v16 =	vld [tilespmem:s14+$0x10]  }
0x8d: {  	v5 =	vand.u32 $0x7FF8, v17;
	v57 =	vor.u32 v4, v6;
	v6 =	vadd.s32 s17, v3;
	v19 =	vld [tilespmem:s14+$0x20]  }
0x8e: {  	v27 =	vadd.s32 s18, v2;
	v21 =	vor.u32 v4, v5;
	v5 =	vand.u32 $0x7FF8, v6;
	v20 =	vld [tilespmem:s14+$0x30]  }
0x8f: {  	v28 =	vadd.s32 s18, v3;
	v24 =	vor.u32 v4, v5;
	v5 =	vmov s18;
	v22 =	vld [tilespmem:s14+$0x40]  }
0x90: {  	s19 =	simm.s32 $0x2;
	v23 =	vand.u32 $0x1FF8, v23;
	v6 =	vadd.s32 s18, v1;
	v25 =	vand.u32 $0x5, v5;
	v4 =	vld [tilespmem:s14+$0x50]  }
0x91: {  	v59 =	vadd.s32 s19, v1;
	v26 =	vand.u32 $0x3FF8, v6;
	v23 =	vor.u32 v25, v23;
	v5 =	vld [tilespmem:s14+$0x60]  }
0x92: {  	v60 =	vadd.s32 s19, v0;
	v27 =	vand.u32 $0x7FF8, v27;
	v26 =	vor.u32 v25, v26;
	v6 =	vld [tilespmem:s14+$0x70];
	[tilespmem:v18+s29+$0x0] =	vst.idx.msk $0xffff, v11  }
0x93: {  	v58 =	vand.u32 $0x7FF8, v28;
	v11 =	vor.u32 v25, v27;
	[tilespmem:v57+s29+$0x0] =	vst.idx.msk $0xffff, v10;
	v10 =	vmov s19  }
0x94: {  	v18 =	vor.u32 v25, v58;
	[tilespmem:v21+s29+$0x0] =	vst.idx.msk $0xffff, v9;
	v9 =	vand.u32 $0x1FF8, v60;
	v10 =	vand.u32 $0x6, v10  }
0x95: {  	v61 =	vadd.s32 s19, v2;
	[tilespmem:v24+s29+$0x0] =	vst.idx.msk $0xffff, v8;
	v8 =	vor.u32 v10, v9;
	v9 =	vand.u32 $0x3FF8, v59  }
0x96: {  	[tilespmem:v23+s29+$0x0] =	vst.idx.msk $0xffff, v7;
	v7 =	vor.u32 v10, v9;
	v9 =	vand.u32 $0x7FF8, v61  }
0x97: {  	v62 =	vadd.s32 s19, v3;
	[tilespmem:v26+s29+$0x0] =	vst.idx.msk $0xffff, v12;
	v9 =	vor.u32 v10, v9  }
0x98: {  	v63 =	vand.u32 $0x7FF8, v62;
	[tilespmem:v11+s29+$0x0] =	vst.idx.msk $0xffff, v13  }
0x99: {  	s17 =	simm.s32 $0x3;
	v10 =	vor.u32 v10, v63;
	[tilespmem:v18+s29+$0x0] =	vst.idx.msk $0xffff, v14  }
0x9a: {  	v11 =	vadd.s32 s17, v0;
	[tilespmem:v8+s29+$0x0] =	vst.idx.msk $0xffff, v15  }
0x9b: {  	[tilespmem:v7+s29+$0x0] =	vst.idx.msk $0xffff, v16  }
0x9c: {  	[tilespmem:v9+s29+$0x0] =	vst.idx.msk $0xffff, v19;
	v9 =	vadd.s32 s17, v1  }
0x9d: {  	v7 =	vadd.s32 s17, v2  }
0x9e: {  	v8 =	vadd.s32 s17, v3;
	[tilespmem:v10+s29+$0x0] =	vst.idx.msk $0xffff, v20  }
0x9f: {  	s15 =	sor.u32 $0x1, s12;
	s16 =	simm.s32 $0x7;
	[tilespmem:v11+s29+$0x0] =	vst.idx.msk $0xffff, v22  }
.LBB2_5:
0xa0: {  	p1 =	sne.s32 s16, $0xC7  }
0xa1: {  	[tilespmem:v9+s29+$0x0] =	vst.idx.msk $0xffff, v4;
	s14 =	sadd.s32 $0x100, s14;
	s17 =	smov.u32 s16;
	s16 =	sadd.s32 $0x4, s16  }
0xa2: {  	[tilespmem:v7+s29+$0x0] =	vst.idx.msk $0xffff, v5  }
0xa3: {  	[tilespmem:v8+s29+$0x0] =	vst.idx.msk $0xffff, v6  }
0xa4: {  	v7 =	vld [tilespmem:s14+$0xFFFFFFC0]  }
0xa5: {  	v8 =	vld [tilespmem:s14+$0xFFFFFFB0]  }
0xa6: {  	v9 =	vld [tilespmem:s14+$0xFFFFFFA0]  }
0xa7: {  	v10 =	vld [tilespmem:s14+$0xFFFFFF90]  }
0xa8: {  	v11 =	vld [tilespmem:s14+$0xFFFFFF80]  }
0xa9: {  	v12 =	vld [tilespmem:s14+$0xFFFFFFD0]  }
0xaa: {  	s18 =	sadd.s32 $0xFFFFFFFD, s17;
	v13 =	vld [tilespmem:s14+$0xFFFFFFE0]  }
0xab: {  	v4 =	vmov s18;
	v5 =	vadd.s32 s18, v0;
	v6 =	vadd.s32 s18, v1;
	v14 =	vld [tilespmem:s14+$0xFFFFFFF0]  }
0xac: {  	v5 =	vand.u32 $0x1FF8, v5;
	v4 =	vand.u32 $0x4, v4;
	v6 =	vand.u32 $0x3FF8, v6;
	v15 =	vld [tilespmem:s14+$0x0]  }
0xad: {  	v17 =	vor.u32 v4, v5;
	v18 =	vor.u32 v4, v6;
	v5 =	vadd.s32 s18, v2;
	v16 =	vld [tilespmem:s14+$0x10]  }
0xae: {  	s19 =	sadd.s32 $0xFFFFFFFE, s17;
	v6 =	vadd.s32 s18, v3;
	v5 =	vand.u32 $0x7FF8, v5;
	v19 =	vld [tilespmem:s14+$0x20]  }
0xaf: {  	v21 =	vor.u32 v4, v5;
	v5 =	vand.u32 $0x7FF8, v6;
	v6 =	vadd.s32 s19, v1;
	v20 =	vld [tilespmem:s14+$0x30]  }
0xb0: {  	v24 =	vadd.s32 s19, v0;
	v23 =	vor.u32 v4, v5;
	v5 =	vmov s19;
	v22 =	vld [tilespmem:s14+$0x40]  }
0xb1: {  	v24 =	vand.u32 $0x1FF8, v24;
	v6 =	vand.u32 $0x3FF8, v6;
	v25 =	vand.u32 $0x5, v5;
	v4 =	vld [tilespmem:s14+$0x50]  }
0xb2: {  	v27 =	vadd.s32 s19, v2;
	v24 =	vor.u32 v25, v24;
	v26 =	vor.u32 v25, v6;
	v5 =	vld [tilespmem:s14+$0x60]  }
0xb3: {  	v28 =	vadd.s32 s19, v3;
	v27 =	vand.u32 $0x7FF8, v27;
	s18 =	sadd.s32 $0xFFFFFFFF, s17;
	v6 =	vld [tilespmem:s14+$0x70]  }
0xb4: {  	[tilespmem:v17+s29+$0x0] =	vst.idx.msk $0xffff, v11;
	v11 =	vor.u32 v25, v27;
	v17 =	vand.u32 $0x7FF8, v28;
	v27 =	vadd.s32 s18, v1  }
0xb5: {  	[tilespmem:v18+s29+$0x0] =	vst.idx.msk $0xffff, v10;
	v10 =	vor.u32 v25, v17;
	v17 =	vmov s18;
	v18 =	vadd.s32 s18, v0  }
0xb6: {  	[tilespmem:v21+s29+$0x0] =	vst.idx.msk $0xffff, v9;
	v9 =	vand.u32 $0x1FF8, v18;
	v17 =	vand.u32 $0x6, v17;
	v18 =	vadd.s32 s18, v2  }
0xb7: {  	v21 =	vadd.s32 s18, v3;
	[tilespmem:v23+s29+$0x0] =	vst.idx.msk $0xffff, v8;
	v8 =	vor.u32 v17, v9;
	v9 =	vand.u32 $0x3FF8, v27  }
0xb8: {  	[tilespmem:v24+s29+$0x0] =	vst.idx.msk $0xffff, v7;
	v7 =	vor.u32 v17, v9;
	v9 =	vand.u32 $0x7FF8, v18  }
0xb9: {  	[tilespmem:v26+s29+$0x0] =	vst.idx.msk $0xffff, v12;
	v12 =	vor.u32 v17, v9;
	v9 =	vand.u32 $0x7FF8, v21  }
0xba: {  	[tilespmem:v11+s29+$0x0] =	vst.idx.msk $0xffff, v13;
	v11 =	vor.u32 v17, v9  }
0xbb: {  	[tilespmem:v10+s29+$0x0] =	vst.idx.msk $0xffff, v14;
	v10 =	vadd.s32 s17, v0  }
.Ltmp3:
0xbc: {  	v9 =	vadd.s32 s17, v1;
	[tilespmem:v8+s29+$0x0] =	vst.idx.msk $0xffff, v15;
	(pc) =	sbr.rel @p1 .LBB2_5-.Ltmp3, $4  }
0xbd: {  	[tilespmem:v7+s29+$0x0] =	vst.idx.msk $0xffff, v16;
	v7 =	vadd.s32 s17, v2  }
0xbe: {  	v8 =	vadd.s32 s17, v3;
	[tilespmem:v12+s29+$0x0] =	vst.idx.msk $0xffff, v19  }
0xbf: {  	[tilespmem:v11+s29+$0x0] =	vst.idx.msk $0xffff, v20  }
0xc0: {  	[tilespmem:v10+s29+$0x0] =	vst.idx.msk $0xffff, v22  }
0xc1: {  	_ =	sdelay $0x2  }
0xc2: {  	s14 =	sadd.s32 s5, s15  }
0xc3: {  	[tilespmem:v9+s29+$0x0] =	vst.idx.msk $0xffff, v4;
	s14 =	smul.u32 $0x640, s14  }
0xc4: {  	[tilespmem:v7+s29+$0x0] =	vst.idx.msk $0xffff, v5  }
0xc5: {  	[tilespmem:v8+s29+$0x0] =	vst.idx.msk $0xffff, v6;
	s14 =	sadd.s32 s2, s14  }
0xc6: {  	[hbm4b:s14+s3] =	stream.linear.scatter [tilespmem:s29], [sflag:$0x6], $0x3200, $0x38;
	[tilespmem:$0x19000] =	vst v63  }
0xc7: {  	s15 =	simm.s32 @!p0 $0x80;
	s16 =	simm.s32 @!p0 $0x9600;
	s14 =	sadd.s32 @!p0 $0x3E8, s13  }
0xc8: {  	[tilespmem:s16], [sflag:$0x2] =	stream.indirect.gather @!p0 [hbm4b:s4+s15], $0x40, s14, s15, $0xb8;
	[tilespmem:$0x19000] =	vst v63  }
0xc9: {  	s14 =	sadd.s32 @!p0 $0x468, s13;
	s15 =	simm.s32 @!p0 $0x48;
	s16 =	simm.s32 @!p0 $0xB600  }
0xca: {  	[tilespmem:s16], [sflag:$0x2] =	stream.indirect.gather @!p0 [hbm4b:s4+s15], $0x40, s14, s15, $0xb8;
	[tilespmem:$0x19000] =	vst v63  }
0xcb: {  	s16 =	simm.s32 $0x3  }
0xcc: {  	_ =	swait.ge [sflag:s16], $0x2000  }
0xcd: {  	[sflag:s16] =	ssyncset.done $0x0  }
0xce: {  	[sflag:s16] =	ssyncadd.s32 $0xFFFFE000  }
0xcf: {  	_ =	swait.ge [sflag:s16], $0x1200  }
0xd0: {  	[sflag:s16] =	ssyncset.done $0x0  }
0xd1: {  	[sflag:s16] =	ssyncadd.s32 $0xFFFFEE00  }
0xd2: {  	_ =	swait.ge [sflag:s30], $0x3200  }
0xd3: {  	[sflag:s30] =	ssyncset.done $0x0  }
0xd4: {  	s14 =	simm.s32 $0xC880;
	[sflag:s30] =	ssyncadd.s32 $0xFFFFCE00  }
0xd5: {  	v7 =	vld [tilespmem:s14+$0xFFFFFFC0]  }
0xd6: {  	v8 =	vld [tilespmem:s14+$0xFFFFFFB0]  }
0xd7: {  	v9 =	vld [tilespmem:s14+$0xFFFFFFA0]  }
0xd8: {  	v10 =	vld [tilespmem:s14+$0xFFFFFF90]  }
0xd9: {  	v11 =	vld [tilespmem:s14+$0xFFFFFF80]  }
0xda: {  	v12 =	vld [tilespmem:s14+$0xFFFFFFD0]  }
0xdb: {  	s18 =	simm.s32 $0x0;
	v13 =	vld [tilespmem:s14+$0xFFFFFFE0]  }
0xdc: {  	v4 =	vmov s18;
	v5 =	vadd.s32 s18, v0;
	v17 =	vadd.s32 s18, v2;
	v14 =	vld [tilespmem:s14+$0xFFFFFFF0]  }
0xdd: {  	s17 =	simm.s32 $0x1;
	v6 =	vadd.s32 s18, v1;
	v5 =	vand.u32 $0x1FF8, v5;
	v4 =	vand.u32 $0x4, v4;
	v15 =	vld [tilespmem:s14+$0x0]  }
0xde: {  	v23 =	vadd.s32 s17, v0;
	v6 =	vand.u32 $0x3FF8, v6;
	v18 =	vor.u32 v4, v5;
	v16 =	vld [tilespmem:s14+$0x10]  }
0xdf: {  	v5 =	vand.u32 $0x7FF8, v17;
	v57 =	vor.u32 v4, v6;
	v6 =	vadd.s32 s18, v3;
	v19 =	vld [tilespmem:s14+$0x20]  }
0xe0: {  	v27 =	vadd.s32 s17, v2;
	v21 =	vor.u32 v4, v5;
	v5 =	vand.u32 $0x7FF8, v6;
	v20 =	vld [tilespmem:s14+$0x30]  }
0xe1: {  	v28 =	vadd.s32 s17, v3;
	v24 =	vor.u32 v4, v5;
	v5 =	vmov s17;
	v22 =	vld [tilespmem:s14+$0x40]  }
0xe2: {  	s19 =	simm.s32 $0x2;
	v23 =	vand.u32 $0x1FF8, v23;
	v6 =	vadd.s32 s17, v1;
	v25 =	vand.u32 $0x5, v5;
	v4 =	vld [tilespmem:s14+$0x50]  }
0xe3: {  	v59 =	vadd.s32 s19, v1;
	v26 =	vand.u32 $0x3FF8, v6;
	v23 =	vor.u32 v25, v23;
	v5 =	vld [tilespmem:s14+$0x60]  }
0xe4: {  	v60 =	vadd.s32 s19, v0;
	v27 =	vand.u32 $0x7FF8, v27;
	v26 =	vor.u32 v25, v26;
	v6 =	vld [tilespmem:s14+$0x70];
	[tilespmem:v18+s26+$0x0] =	vst.idx.msk $0xffff, v11  }
0xe5: {  	v58 =	vand.u32 $0x7FF8, v28;
	v11 =	vor.u32 v25, v27;
	[tilespmem:v57+s26+$0x0] =	vst.idx.msk $0xffff, v10;
	v10 =	vmov s19  }
0xe6: {  	v18 =	vor.u32 v25, v58;
	[tilespmem:v21+s26+$0x0] =	vst.idx.msk $0xffff, v9;
	v9 =	vand.u32 $0x1FF8, v60;
	v10 =	vand.u32 $0x6, v10  }
0xe7: {  	v61 =	vadd.s32 s19, v2;
	[tilespmem:v24+s26+$0x0] =	vst.idx.msk $0xffff, v8;
	v8 =	vor.u32 v10, v9;
	v9 =	vand.u32 $0x3FF8, v59  }
0xe8: {  	[tilespmem:v23+s26+$0x0] =	vst.idx.msk $0xffff, v7;
	v7 =	vor.u32 v10, v9;
	v9 =	vand.u32 $0x7FF8, v61  }
0xe9: {  	v62 =	vadd.s32 s19, v3;
	[tilespmem:v26+s26+$0x0] =	vst.idx.msk $0xffff, v12;
	v9 =	vor.u32 v10, v9  }
0xea: {  	v63 =	vand.u32 $0x7FF8, v62;
	[tilespmem:v11+s26+$0x0] =	vst.idx.msk $0xffff, v13  }
0xeb: {  	v10 =	vor.u32 v10, v63;
	[tilespmem:v18+s26+$0x0] =	vst.idx.msk $0xffff, v14  }
0xec: {  	v11 =	vadd.s32 s16, v0;
	[tilespmem:v8+s26+$0x0] =	vst.idx.msk $0xffff, v15  }
0xed: {  	[tilespmem:v7+s26+$0x0] =	vst.idx.msk $0xffff, v16  }
0xee: {  	[tilespmem:v9+s26+$0x0] =	vst.idx.msk $0xffff, v19;
	v9 =	vadd.s32 s16, v1  }
0xef: {  	v7 =	vadd.s32 s16, v2  }
0xf0: {  	v8 =	vadd.s32 s16, v3;
	[tilespmem:v10+s26+$0x0] =	vst.idx.msk $0xffff, v20  }
0xf1: {  	s15 =	simm.s32 $0x7;
	[tilespmem:v11+s26+$0x0] =	vst.idx.msk $0xffff, v22  }
.LBB2_7:
0xf2: {  	p1 =	sne.s32 s15, $0xC7  }
0xf3: {  	[tilespmem:v9+s26+$0x0] =	vst.idx.msk $0xffff, v4;
	s14 =	sadd.s32 $0x100, s14;
	s16 =	smov.u32 s15;
	s15 =	sadd.s32 $0x4, s15  }
0xf4: {  	[tilespmem:v7+s26+$0x0] =	vst.idx.msk $0xffff, v5  }
0xf5: {  	[tilespmem:v8+s26+$0x0] =	vst.idx.msk $0xffff, v6  }
0xf6: {  	v7 =	vld [tilespmem:s14+$0xFFFFFFC0]  }
0xf7: {  	v8 =	vld [tilespmem:s14+$0xFFFFFFB0]  }
0xf8: {  	v9 =	vld [tilespmem:s14+$0xFFFFFFA0]  }
0xf9: {  	v10 =	vld [tilespmem:s14+$0xFFFFFF90]  }
0xfa: {  	v11 =	vld [tilespmem:s14+$0xFFFFFF80]  }
0xfb: {  	v12 =	vld [tilespmem:s14+$0xFFFFFFD0]  }
0xfc: {  	s17 =	sadd.s32 $0xFFFFFFFD, s16;
	v13 =	vld [tilespmem:s14+$0xFFFFFFE0]  }
0xfd: {  	v4 =	vmov s17;
	v5 =	vadd.s32 s17, v0;
	v6 =	vadd.s32 s17, v1;
	v14 =	vld [tilespmem:s14+$0xFFFFFFF0]  }
0xfe: {  	v5 =	vand.u32 $0x1FF8, v5;
	v4 =	vand.u32 $0x4, v4;
	v6 =	vand.u32 $0x3FF8, v6;
	v15 =	vld [tilespmem:s14+$0x0]  }
0xff: {  	v17 =	vor.u32 v4, v5;
	v18 =	vor.u32 v4, v6;
	v5 =	vadd.s32 s17, v2;
	v16 =	vld [tilespmem:s14+$0x10]  }
0x100: {  	s18 =	sadd.s32 $0xFFFFFFFE, s16;
	v6 =	vadd.s32 s17, v3;
	v5 =	vand.u32 $0x7FF8, v5;
	v19 =	vld [tilespmem:s14+$0x20]  }
0x101: {  	v21 =	vor.u32 v4, v5;
	v5 =	vand.u32 $0x7FF8, v6;
	v6 =	vadd.s32 s18, v1;
	v20 =	vld [tilespmem:s14+$0x30]  }
0x102: {  	v24 =	vadd.s32 s18, v0;
	v23 =	vor.u32 v4, v5;
	v5 =	vmov s18;
	v22 =	vld [tilespmem:s14+$0x40]  }
0x103: {  	v24 =	vand.u32 $0x1FF8, v24;
	v6 =	vand.u32 $0x3FF8, v6;
	v25 =	vand.u32 $0x5, v5;
	v4 =	vld [tilespmem:s14+$0x50]  }
0x104: {  	v27 =	vadd.s32 s18, v2;
	v24 =	vor.u32 v25, v24;
	v26 =	vor.u32 v25, v6;
	v5 =	vld [tilespmem:s14+$0x60]  }
0x105: {  	v28 =	vadd.s32 s18, v3;
	v27 =	vand.u32 $0x7FF8, v27;
	s17 =	sadd.s32 $0xFFFFFFFF, s16;
	v6 =	vld [tilespmem:s14+$0x70]  }
0x106: {  	[tilespmem:v17+s26+$0x0] =	vst.idx.msk $0xffff, v11;
	v11 =	vor.u32 v25, v27;
	v17 =	vand.u32 $0x7FF8, v28;
	v27 =	vadd.s32 s17, v1  }
0x107: {  	[tilespmem:v18+s26+$0x0] =	vst.idx.msk $0xffff, v10;
	v10 =	vor.u32 v25, v17;
	v17 =	vmov s17;
	v18 =	vadd.s32 s17, v0  }
0x108: {  	[tilespmem:v21+s26+$0x0] =	vst.idx.msk $0xffff, v9;
	v9 =	vand.u32 $0x1FF8, v18;
	v17 =	vand.u32 $0x6, v17;
	v18 =	vadd.s32 s17, v2  }
0x109: {  	v21 =	vadd.s32 s17, v3;
	[tilespmem:v23+s26+$0x0] =	vst.idx.msk $0xffff, v8;
	v8 =	vor.u32 v17, v9;
	v9 =	vand.u32 $0x3FF8, v27  }
0x10a: {  	[tilespmem:v24+s26+$0x0] =	vst.idx.msk $0xffff, v7;
	v7 =	vor.u32 v17, v9;
	v9 =	vand.u32 $0x7FF8, v18  }
0x10b: {  	[tilespmem:v26+s26+$0x0] =	vst.idx.msk $0xffff, v12;
	v12 =	vor.u32 v17, v9;
	v9 =	vand.u32 $0x7FF8, v21  }
0x10c: {  	[tilespmem:v11+s26+$0x0] =	vst.idx.msk $0xffff, v13;
	v11 =	vor.u32 v17, v9  }
0x10d: {  	[tilespmem:v10+s26+$0x0] =	vst.idx.msk $0xffff, v14;
	v10 =	vadd.s32 s16, v0  }
.Ltmp4:
0x10e: {  	v9 =	vadd.s32 s16, v1;
	[tilespmem:v8+s26+$0x0] =	vst.idx.msk $0xffff, v15;
	(pc) =	sbr.rel @p1 .LBB2_7-.Ltmp4, $4  }
0x10f: {  	[tilespmem:v7+s26+$0x0] =	vst.idx.msk $0xffff, v16;
	v7 =	vadd.s32 s16, v2  }
0x110: {  	v8 =	vadd.s32 s16, v3;
	[tilespmem:v12+s26+$0x0] =	vst.idx.msk $0xffff, v19  }
0x111: {  	[tilespmem:v11+s26+$0x0] =	vst.idx.msk $0xffff, v20  }
0x112: {  	[tilespmem:v10+s26+$0x0] =	vst.idx.msk $0xffff, v22  }
0x113: {  	_ =	sdelay $0x1  }
0x114: {  	s12 =	sadd.s32 s12, s5  }
0x115: {  	s12 =	smul.u32 $0x640, s12  }
0x116: {  	[tilespmem:v9+s26+$0x0] =	vst.idx.msk $0xffff, v4  }
0x117: {  	[tilespmem:v7+s26+$0x0] =	vst.idx.msk $0xffff, v5;
	s12 =	sadd.s32 s2, s12  }
0x118: {  	[tilespmem:v8+s26+$0x0] =	vst.idx.msk $0xffff, v6;
	s14 =	sadd.s32 $0xC80, s12  }
0x119: {  	[hbm4b:s14+s3] =	stream.linear.scatter [tilespmem:s26], [sflag:$0x5], $0x3200, $0x38;
	[tilespmem:$0x19000] =	vst v63  }
0x11a: {  	s15 =	simm.s32 @!p0 $0x80;
	s16 =	simm.s32 @!p0 $0xC800;
	s14 =	sadd.s32 @!p0 $0x4B0, s13  }
0x11b: {  	[tilespmem:s16], [sflag:$0x3] =	stream.indirect.gather @!p0 [hbm4b:s4+s15], $0x40, s14, s15, $0xb8;
	[tilespmem:$0x19000] =	vst v63  }
0x11c: {  	s13 =	sadd.s32 @!p0 $0x530, s13;
	s14 =	simm.s32 @!p0 $0x48;
	s15 =	simm.s32 @!p0 $0xE800  }
0x11d: {  	[tilespmem:s15], [sflag:$0x3] =	stream.indirect.gather @!p0 [hbm4b:s4+s14], $0x40, s13, s14, $0xb8;
	[tilespmem:$0x19000] =	vst v63  }
0x11e: {  	_ =	swait.ge [sflag:s31], $0x2000  }
0x11f: {  	[sflag:s31] =	ssyncset.done $0x0  }
0x120: {  	[sflag:s31] =	ssyncadd.s32 $0xFFFFE000  }
0x121: {  	_ =	swait.ge [sflag:s31], $0x1200  }
0x122: {  	[sflag:s31] =	ssyncset.done $0x0  }
0x123: {  	[sflag:s31] =	ssyncadd.s32 $0xFFFFEE00  }
0x124: {  	_ =	swait.ge [sflag:s1], $0x3200  }
0x125: {  	[sflag:s1] =	ssyncset.done $0x0  }
0x126: {  	s13 =	simm.s32 $0xFA80;
	[sflag:s1] =	ssyncadd.s32 $0xFFFFCE00  }
0x127: {  	v7 =	vld [tilespmem:s13+$0xFFFFFFC0]  }
0x128: {  	v8 =	vld [tilespmem:s13+$0xFFFFFFB0]  }
0x129: {  	v9 =	vld [tilespmem:s13+$0xFFFFFFA0]  }
0x12a: {  	v10 =	vld [tilespmem:s13+$0xFFFFFF90]  }
0x12b: {  	v11 =	vld [tilespmem:s13+$0xFFFFFF80]  }
0x12c: {  	v12 =	vld [tilespmem:s13+$0xFFFFFFD0]  }
0x12d: {  	s17 =	simm.s32 $0x1;
	s16 =	simm.s32 $0x0;
	v13 =	vld [tilespmem:s13+$0xFFFFFFE0]  }
0x12e: {  	v23 =	vadd.s32 s17, v0;
	v4 =	vmov s16;
	v5 =	vadd.s32 s16, v0;
	v14 =	vld [tilespmem:s13+$0xFFFFFFF0]  }
0x12f: {  	v6 =	vadd.s32 s16, v1;
	v5 =	vand.u32 $0x1FF8, v5;
	v4 =	vand.u32 $0x4, v4;
	v15 =	vld [tilespmem:s13+$0x0]  }
0x130: {  	v17 =	vadd.s32 s16, v2;
	v6 =	vand.u32 $0x3FF8, v6;
	v18 =	vor.u32 v4, v5;
	v16 =	vld [tilespmem:s13+$0x10]  }
0x131: {  	v5 =	vand.u32 $0x7FF8, v17;
	v57 =	vor.u32 v4, v6;
	v6 =	vadd.s32 s16, v3;
	v19 =	vld [tilespmem:s13+$0x20]  }
0x132: {  	v27 =	vadd.s32 s17, v2;
	v21 =	vor.u32 v4, v5;
	v5 =	vand.u32 $0x7FF8, v6;
	v20 =	vld [tilespmem:s13+$0x30]  }
0x133: {  	v28 =	vadd.s32 s17, v3;
	v24 =	vor.u32 v4, v5;
	v5 =	vmov s17;
	v22 =	vld [tilespmem:s13+$0x40]  }
0x134: {  	s18 =	simm.s32 $0x2;
	v23 =	vand.u32 $0x1FF8, v23;
	v6 =	vadd.s32 s17, v1;
	v25 =	vand.u32 $0x5, v5;
	v4 =	vld [tilespmem:s13+$0x50]  }
0x135: {  	v59 =	vadd.s32 s18, v1;
	v26 =	vand.u32 $0x3FF8, v6;
	v23 =	vor.u32 v25, v23;
	v5 =	vld [tilespmem:s13+$0x60]  }
0x136: {  	v60 =	vadd.s32 s18, v0;
	v27 =	vand.u32 $0x7FF8, v27;
	v26 =	vor.u32 v25, v26;
	v6 =	vld [tilespmem:s13+$0x70];
	[tilespmem:v18+s29+$0x0] =	vst.idx.msk $0xffff, v11  }
0x137: {  	v58 =	vand.u32 $0x7FF8, v28;
	v11 =	vor.u32 v25, v27;
	[tilespmem:v57+s29+$0x0] =	vst.idx.msk $0xffff, v10;
	v10 =	vmov s18  }
0x138: {  	v18 =	vor.u32 v25, v58;
	[tilespmem:v21+s29+$0x0] =	vst.idx.msk $0xffff, v9;
	v9 =	vand.u32 $0x1FF8, v60;
	v10 =	vand.u32 $0x6, v10  }
0x139: {  	v61 =	vadd.s32 s18, v2;
	[tilespmem:v24+s29+$0x0] =	vst.idx.msk $0xffff, v8;
	v8 =	vor.u32 v10, v9;
	v9 =	vand.u32 $0x3FF8, v59  }
0x13a: {  	[tilespmem:v23+s29+$0x0] =	vst.idx.msk $0xffff, v7;
	v7 =	vor.u32 v10, v9;
	v9 =	vand.u32 $0x7FF8, v61  }
0x13b: {  	v62 =	vadd.s32 s18, v3;
	[tilespmem:v26+s29+$0x0] =	vst.idx.msk $0xffff, v12;
	v9 =	vor.u32 v10, v9  }
0x13c: {  	v63 =	vand.u32 $0x7FF8, v62;
	[tilespmem:v11+s29+$0x0] =	vst.idx.msk $0xffff, v13  }
0x13d: {  	s19 =	simm.s32 $0x3;
	v10 =	vor.u32 v10, v63;
	[tilespmem:v18+s29+$0x0] =	vst.idx.msk $0xffff, v14  }
0x13e: {  	v11 =	vadd.s32 s19, v0;
	[tilespmem:v8+s29+$0x0] =	vst.idx.msk $0xffff, v15  }
0x13f: {  	[tilespmem:v7+s29+$0x0] =	vst.idx.msk $0xffff, v16  }
0x140: {  	[tilespmem:v9+s29+$0x0] =	vst.idx.msk $0xffff, v19;
	v9 =	vadd.s32 s19, v1  }
0x141: {  	v7 =	vadd.s32 s19, v2  }
0x142: {  	v8 =	vadd.s32 s19, v3;
	[tilespmem:v10+s29+$0x0] =	vst.idx.msk $0xffff, v20  }
0x143: {  	s14 =	simm.s32 $0x7;
	[tilespmem:v11+s29+$0x0] =	vst.idx.msk $0xffff, v22  }
.LBB2_9:
0x144: {  	p1 =	sne.s32 s14, $0xC7  }
0x145: {  	[tilespmem:v9+s29+$0x0] =	vst.idx.msk $0xffff, v4;
	s13 =	sadd.s32 $0x100, s13;
	s15 =	smov.u32 s14;
	s14 =	sadd.s32 $0x4, s14  }
0x146: {  	[tilespmem:v7+s29+$0x0] =	vst.idx.msk $0xffff, v5  }
0x147: {  	[tilespmem:v8+s29+$0x0] =	vst.idx.msk $0xffff, v6  }
0x148: {  	v7 =	vld [tilespmem:s13+$0xFFFFFFC0]  }
0x149: {  	v8 =	vld [tilespmem:s13+$0xFFFFFFB0]  }
0x14a: {  	v9 =	vld [tilespmem:s13+$0xFFFFFFA0]  }
0x14b: {  	v10 =	vld [tilespmem:s13+$0xFFFFFF90]  }
0x14c: {  	v11 =	vld [tilespmem:s13+$0xFFFFFF80]  }
0x14d: {  	v12 =	vld [tilespmem:s13+$0xFFFFFFD0]  }
0x14e: {  	s16 =	sadd.s32 $0xFFFFFFFD, s15;
	v13 =	vld [tilespmem:s13+$0xFFFFFFE0]  }
0x14f: {  	v4 =	vmov s16;
	v5 =	vadd.s32 s16, v0;
	v6 =	vadd.s32 s16, v1;
	v14 =	vld [tilespmem:s13+$0xFFFFFFF0]  }
0x150: {  	v5 =	vand.u32 $0x1FF8, v5;
	v4 =	vand.u32 $0x4, v4;
	v6 =	vand.u32 $0x3FF8, v6;
	v15 =	vld [tilespmem:s13+$0x0]  }
0x151: {  	v17 =	vor.u32 v4, v5;
	v18 =	vor.u32 v4, v6;
	v5 =	vadd.s32 s16, v2;
	v16 =	vld [tilespmem:s13+$0x10]  }
0x152: {  	s17 =	sadd.s32 $0xFFFFFFFE, s15;
	v6 =	vadd.s32 s16, v3;
	v5 =	vand.u32 $0x7FF8, v5;
	v19 =	vld [tilespmem:s13+$0x20]  }
0x153: {  	v21 =	vor.u32 v4, v5;
	v5 =	vand.u32 $0x7FF8, v6;
	v6 =	vadd.s32 s17, v1;
	v20 =	vld [tilespmem:s13+$0x30]  }
0x154: {  	v24 =	vadd.s32 s17, v0;
	v23 =	vor.u32 v4, v5;
	v5 =	vmov s17;
	v22 =	vld [tilespmem:s13+$0x40]  }
0x155: {  	v24 =	vand.u32 $0x1FF8, v24;
	v6 =	vand.u32 $0x3FF8, v6;
	v25 =	vand.u32 $0x5, v5;
	v4 =	vld [tilespmem:s13+$0x50]  }
0x156: {  	v27 =	vadd.s32 s17, v2;
	v24 =	vor.u32 v25, v24;
	v26 =	vor.u32 v25, v6;
	v5 =	vld [tilespmem:s13+$0x60]  }
0x157: {  	v28 =	vadd.s32 s17, v3;
	v27 =	vand.u32 $0x7FF8, v27;
	s16 =	sadd.s32 $0xFFFFFFFF, s15;
	v6 =	vld [tilespmem:s13+$0x70]  }
0x158: {  	[tilespmem:v17+s29+$0x0] =	vst.idx.msk $0xffff, v11;
	v11 =	vor.u32 v25, v27;
	v17 =	vand.u32 $0x7FF8, v28;
	v27 =	vadd.s32 s16, v1  }
0x159: {  	[tilespmem:v18+s29+$0x0] =	vst.idx.msk $0xffff, v10;
	v10 =	vor.u32 v25, v17;
	v17 =	vmov s16;
	v18 =	vadd.s32 s16, v0  }
0x15a: {  	[tilespmem:v21+s29+$0x0] =	vst.idx.msk $0xffff, v9;
	v9 =	vand.u32 $0x1FF8, v18;
	v17 =	vand.u32 $0x6, v17;
	v18 =	vadd.s32 s16, v2  }
0x15b: {  	v21 =	vadd.s32 s16, v3;
	[tilespmem:v23+s29+$0x0] =	vst.idx.msk $0xffff, v8;
	v8 =	vor.u32 v17, v9;
	v9 =	vand.u32 $0x3FF8, v27  }
0x15c: {  	[tilespmem:v24+s29+$0x0] =	vst.idx.msk $0xffff, v7;
	v7 =	vor.u32 v17, v9;
	v9 =	vand.u32 $0x7FF8, v18  }
0x15d: {  	[tilespmem:v26+s29+$0x0] =	vst.idx.msk $0xffff, v12;
	v12 =	vor.u32 v17, v9;
	v9 =	vand.u32 $0x7FF8, v21  }
0x15e: {  	[tilespmem:v11+s29+$0x0] =	vst.idx.msk $0xffff, v13;
	v11 =	vor.u32 v17, v9  }
0x15f: {  	[tilespmem:v10+s29+$0x0] =	vst.idx.msk $0xffff, v14;
	v10 =	vadd.s32 s15, v0  }
.Ltmp5:
0x160: {  	v9 =	vadd.s32 s15, v1;
	[tilespmem:v8+s29+$0x0] =	vst.idx.msk $0xffff, v15;
	(pc) =	sbr.rel @p1 .LBB2_9-.Ltmp5, $4  }
0x161: {  	[tilespmem:v7+s29+$0x0] =	vst.idx.msk $0xffff, v16;
	v7 =	vadd.s32 s15, v2  }
0x162: {  	v8 =	vadd.s32 s15, v3;
	[tilespmem:v12+s29+$0x0] =	vst.idx.msk $0xffff, v19  }
0x163: {  	[tilespmem:v11+s29+$0x0] =	vst.idx.msk $0xffff, v20  }
0x164: {  	[tilespmem:v10+s29+$0x0] =	vst.idx.msk $0xffff, v22  }
0x165: {  	_ =	sdelay $0x2  }
.Ltmp6:
0x166: {  	_ = 	snop;
	(pc) =	sbr.rel @p0 .LBB2_12-.Ltmp6, $4  }
0x167: {  	[tilespmem:v9+s29+$0x0] =	vst.idx.msk $0xffff, v4  }
0x168: {  	[tilespmem:v7+s29+$0x0] =	vst.idx.msk $0xffff, v5  }
0x169: {  	s12 =	sadd.s32 $0x12C0, s12;
	[tilespmem:v8+s29+$0x0] =	vst.idx.msk $0xffff, v6  }
0x16a: {  	[hbm4b:s12+s3] =	stream.linear.scatter [tilespmem:s29], [sflag:$0x6], $0x3200, $0x38;
	[tilespmem:$0x19000] =	vst v63  }
0x16b: {  	s12 =	smul.u32 $0xC80, s10;
	_ =	sdelay $0x1  }
.Ltmp7:
0x16c: {  	s12 =	sshra.s32 s12, $0x2;
	(pc) =	sbr.rel .LBB2_2-.Ltmp7, $4  }
0x16d: {  	s13 =	sadd.s32 $0x578, s12  }
0x16e: {  	[tilespmem:s22], [sflag:$0x4] =	stream.indirect.gather [hbm4b:s4+s9], $0x40, s13, s9, $0xb8;
	[tilespmem:$0x19000] =	vst v63  }
0x16f: {  	s10 =	sadd.s32 $0x1, s10;
	s12 =	sadd.s32 $0x5F8, s12  }
0x170: {  	[tilespmem:s24], [sflag:$0x4] =	stream.indirect.gather [hbm4b:s4+s11], $0x40, s12, s11, $0xb8;
	[tilespmem:$0x19000] =	vst v63  }
.LBB2_13:
0x171: {  	_ =	sfence.sel $0x180000  }
0x172: {  	[bflag:$0x0] =	sbarrier.arrive $0xFFFF  }
0x173: {  	_ =	strace $0x90000047  }
0x174: {  	s0 =	stileid.u32;
	[bflag:$0x2] =	sbarrier.arrive $0xFFFF  }
0x175: {  	p0 =	sne.s32 s0, $0x0;
	s0 =	rddreg [dreg:$0x2]  }
0x176: {  	s0 =	sadd.s32 @!p0 $0x100000, s0  }
0x177: {  	[sflag:s0] =	ssyncadd.tile.s32 @!p0 $0x1;
	_ =	shalt  }
.Lfunc_end2:
_tile_overlayer_lowered:
.L_overlay_start_2:
0x178: {  	(tag) =	ssettag $0x2  }
0x179: {  	s0 =	rddreg [dreg:$0x0];
	s2 =	stileid.u32  }
0x17a: {  	s1 =	rddreg [dreg:$0x1];
	p0 =	sne.s32 s2, $0x0  }
0x17b: {  	s3 =	rddreg [dreg:$0x2];
	[bflag:$0x3] =	sbarrier.arrive $0xFFFF;
	s2 =	simm.s32 @!p0 $0x1C07  }
0x17c: {  	[timem:s3], [sflag:s2] =	dma.local @!p0 [hbm:s0], s1  }
0x17d: {  	s0 =	simm.s32 @!p0 $0x7  }
0x17e: {  	_ =	swait.ge @!p0 [sflag:s0], s1  }
0x17f: {  	s1 =	ssub.s32 @!p0 $0x0, s1;
	[sflag:s0] =	ssyncset.done @!p0 $0x0  }
0x180: {  	[sflag:s0] =	ssyncadd.s32 @!p0 s1  }
0x181: {  	[bflag:$0x3] =	sbarrier.arrive $0xFFFF  }
0x182: {  	_ =	shalt  }

// kernel: sparse-core-data-format-call.cloned.1.call-start
scs
called_computation_lowered:
.L_overlay_start_0:
0x0: {  	s2 =	sld [smem:$0x3FD9]  }
0x1: {  	s3 =	sld [smem:$0x3FFE];
	_ =	sdelay $0x1  }
0x2: {  	s1 =	srdreg.scid  }
0x3: {  	s0 =	sand.u32 $0x1, s1  }
0x4: {  	s18 =	sshll.u32 s0, $0xA;
	s2 =	sadd.s32 s3, s2  }
0x5: {  	s2 =	sadd.s32 s2, s18  }
0x6: {  	[smem:$0x3FC6] =	sst s2  }
0x7: {  	_ = 	snop  }
0x8: {  	s2 =	sld [smem:$0x3FD0];
	(tm) =	ssettm $0x1  }
0x9: {  	s19 =	sld [smem:$0x3FFB];
	_ =	sdelay $0x3  }
0xa: {  	_ =	strace s19  }
0xb: {  	s3 =	sld [smem:$0x3FFC];
	_ =	sdelay $0x3  }
0xc: {  	_ =	strace s3  }
0xd: {  	s3 =	sld [smem:$0x3FFD];
	_ =	sdelay $0x3  }
0xe: {  	_ =	strace s3  }
0xf: {  	_ =	strace $0x8FFFFFFF  }
0x10: {  	s20 =	sld [smem:$0x3FDB];
	_ =	sdelay $0x1  }
0x11: {  	s4 =	simm.s32 $_scs_section_size  }
0x12: {  	s5 =	simm.s32 $_size__tile_overlayer_lowered;
	s6 =	simm.s32 $_tile_overlayer_lowered  }
0x13: {  	s23 =	simm.s32 $0x1BFF;
	s22 =	sshll.u32 s6, $0x1;
	s3 =	sadd.s32 s4, s20  }
0x14: {  	s7 =	simm.s32 $0x0;
	s21 =	sshll.u32 s5, $0x1;
	s5 =	sadd.s32 s22, s3  }
0x15: {  	[timem:s7], [sflag:s23] =	dma.local [hbm:s5], s21  }
0x16: {  	_ =	swait.ge [sflag:s23], s21  }
0x17: {  	s4 =	ssub.s32 $0x0, s21;
	[sflag:s23] =	ssyncset.done $0x0  }
0x18: {  	[sflag:s23] =	ssyncadd.s32 s4;
	_ =	sdelay $0x1  }
0x19: {  	s24 =	simm.s32 $0x1B8B  }
0x1a: {  	_ =	swait.ge [sflag:s24], $0x1  }
0x1b: {  	[sflag:s24] =	ssyncset.done $0x0  }
0x1c: {  	s26 =	simm.s32 $0x1B8E;
	s25 =	sld [smem:$0x3FFE];
	[sflag:s24] =	ssyncadd.s32 $0xFFFFFFFF  }
0x1d: {  	s27 =	simm.s32 $execute0_lowered;
	[smem:$0x3FD2] =	sst s26  }
0x1e: {  	s5 =	sshll.u32 s27, $0x1;
	_ =	strace $0x80000049;
	[dreg:$0x1] =	wrdreg $0xFFFFFFFF  }
0x1f: {  	s28 =	simm.s32 $_size_execute0_lowered;
	s3 =	sadd.s32 s3, s5;
	[dreg:$0x0] =	wrdreg $0x0  }
0x20: {  	s5 =	sshll.u32 s28, $0x1;
	[dreg:$0x2] =	wrdreg s3  }
0x21: {  	[dreg:$0x3] =	wrdreg s5  }
0x22: {  	[dreg:$0x4] =	wrdreg $0xC0  }
0x23: {  	_ =	task [dreg:s7], $0x5FFFF  }
0x24: {  	[dreg:$0x1] =	wrdreg $0xFFFFFFFF  }
0x25: {  	[dreg:$0x0] =	wrdreg $0x60  }
0x26: {  	[dreg:$0x2] =	wrdreg s25  }
0x27: {  	[dreg:$0x3] =	wrdreg s2  }
0x28: {  	[dreg:$0x4] =	wrdreg $0x9  }
0x29: {  	_ =	task.clear_ibuf [dreg:s7], $0x5FFFF;
	_ =	strace $0x90000049  }
0x2a: {  	s29 =	simm.s32 $0x9;
	_ =	strace $0x8000004B  }
0x2b: {  	_ =	swait.ge [sflag:s29], $0x1  }
0x2c: {  	[sflag:s29] =	ssyncadd.s32 $0xFFFFFFFF  }
0x2d: {  	_ =	strace $0x9000004B  }
0x2e: {  	_ =	sfence  }
0x2f: {  	s30 =	sld [smem:$0x0];
	_ =	sdelay $0x2  }
0x30: {  	s31 =	sshll.u32 s1, $0xD;
	s1 =	sshrl.u32 s1, $0x2  }
0x31: {  	s3 =	sand.u32 $0x4000, s31;
	s1 =	sadd.s32 s1, s30  }
0x32: {  	s0 =	sor.u32 s3, s0;
	s1 =	sshll.u32 s1, $0x11  }
0x33: {  	s0 =	sor.u32 s1, s0  }
0x34: {  	s0 =	sadd.s32 $0x8F2B, s0  }
0x35: {  	[sflag:s0] =	ssyncadd.remote.s32 $0x1  }
0x36: {  	_ =	sfence.sel $0xFFFF  }
0x37: {  	[dreg:$0x0] =	wrdreg $0xFFFFFFFF;
	(pc) =	sbr.abs _section_cstart, $3  }
0x38: {  	[dreg:$0x1] =	wrdreg $0xFFFFFFFF  }
0x39: {  	_ =	task.clear_ibuf [dreg:s7], $0x2FFFF;
	_ =	strace $0x9FFFFFFF  }
0x3a: {  	(tm) =	ssettm $0x7FFFFFFF  }
0x3b: {  	_ =	shalt  }
tec
execute0_lowered:
.L_overlay_start_1:
0x0: {  	(tag) =	ssettag $0x1  }
0x1: {  	s0 =	srdreg.scid  }
0x2: {  	s1 =	sshll.u32 s0, $0x4  }
0x3: {  	s0 =	stileid.u32;
	s1 =	sand.u32 $0x10, s1  }
0x4: {  	s1 =	sor.u32 s0, s1  }
0x5: {  	s6 =	rddreg [dreg:$0x0];
	s4 =	simm.s32 $0x1;
	s2 =	sshll.u32 s1, $0x7  }
0x6: {  	s7 =	simm.s32 $0x2;
	s13 =	simm.s32 $0x0;
	s1 =	ssub.s32 $0x1000, s2  }
0x7: {  	s8 =	simm.s32 $0x8000;
	s12 =	simm.s32 $0x0;
	s3 =	sand.u32 $0xF80, s1  }
0x8: {  	s9 =	simm.s32 $0x0;
	s5 =	sshrl.u32 s1, $0xC;
	p0 =	sne.s32 s3, $0x0  }
.Ltmp0:
0x9: {  	s1 =	rddreg [dreg:$0x2];
	s4 =	simm.s32 @!p0 $0x0;
	(pc) =	sbr.rel .LBB1_1-.Ltmp0, $4  }
0xa: {  	s11 =	simm.s32 $0x0;
	s3 =	rddreg [dreg:$0x1];
	s5 =	sadd.s32 s4, s5  }
0xb: {  	_ =	strace $0x8000004A;
	s4 =	simm.s32 $0x1;
	s5 =	smul.u32 $0x64, s5  }
0xc: {  	s6 =	sadd.s32 $0xA00, s6;
	s10 =	smov.u32 s2;
	[sflag:s4] =	ssyncpa.u1 $0x0  }
0xd: {  	p0 =	por $0x0, $0x0;
	[sflag:s7] =	ssyncpa.u1 $0x0;
	s7 =	sor.u32 $0x1, s5  }
.LBB1_4:
0xe: {  	v5 =	vld [tilespmem:s17+$0xFFFFFFD0];
	[tilespmem:s16+$0x2040 ss:$0x81] =	vst.msk $0xffff, v4;
	s19 =	sshll.u32 s13, $0xC;
	s20 =	sshll.u32 s12, $0x3  }
0xf: {  	v58 =	vld [tilespmem:s17+$0xFFFFFFE0];
	[tilespmem:s16+$0x2850 ss:$0x81] =	vst.msk $0xffff, v3;
	s19 =	sand.u32 $0xFFFF8000, s19;
	s21 =	sand.u32 $0xFFFFFC00, s20  }
0x10: {  	s18 =	sshra.s32 s18, $0x2;
	v59 =	vld [tilespmem:s17+$0xFFFFFFF0];
	[tilespmem:s16+$0x3060 ss:$0x81] =	vst.msk $0xffff, v2;
	s19 =	sadd.s32 s21, s19  }
0x11: {  	v60 =	vld [tilespmem:s17+$0x0];
	[tilespmem:s16+$0x0 ss:$0x81] =	vst.msk $0xffff, v0;
	s15 =	sadd.s32 s18, s15;
	s26 =	sshrl.u32 s19, $0xC  }
0x12: {  	v61 =	vld [tilespmem:s17+$0x10];
	[tilespmem:s15+$0x3870 ss:$0x81] =	vst.msk $0xffff, v1;
	s27 =	smulhi.u32 $0xA3D71, s26  }
0x13: {  	v62 =	vld [tilespmem:s17+$0x20];
	s28 =	sand.u32 $0x78, s12;
	[tilespmem:s15+$0x810 ss:$0x81] =	vst.msk $0xffff, v5  }
0x14: {  	v63 =	vld [tilespmem:s17+$0xFFFFFFC0];
	s29 =	sshll.u32 s13, $0x7;
	s30 =	sand.u32 $0xC00, s20;
	[tilespmem:s15+$0x1020 ss:$0x81] =	vst.msk $0xffff, v58;
	s18 =	sshrl.u32 s27, $0x1  }
0x15: {  	s13 =	sand.u32 $0x380, s29;
	s17 =	sor.u32 s28, s30;
	[tilespmem:s15+$0x1830 ss:$0x81] =	vst.msk $0xffff, v59;
	s18 =	smul.u32 $0x3200, s18  }
0x16: {  	s13 =	sor.u32 s13, s17;
	[tilespmem:s15+$0x2040 ss:$0x81] =	vst.msk $0xffff, v60  }
0x17: {  	s31 =	sand.u32 $0x7, s12;
	s13 =	sshrl.u32 s13, $0x3;
	[tilespmem:s15+$0x2850 ss:$0x81] =	vst.msk $0xffff, v61;
	s16 =	ssub.s32 s26, s18  }
0x18: {  	s12 =	sshll.u32 s31, $0x12;
	[tilespmem:s15+$0x3060 ss:$0x81] =	vst.msk $0xffff, v62;
	s13 =	sadd.s32 s3, s13;
	s16 =	sshll.u32 s16, $0x9  }
0x19: {  	s12 =	sor.u32 $0x400, s12;
	[tilespmem:s15+$0x0 ss:$0x81] =	vst.msk $0xffff, v63;
	s13 =	sadd.s32 s16, s13  }
0x1a: {  	[hbm4b:s13+s12] =	stream.strided.scatter [tilespmem:s14], [sflag:$0x2], $0x4000, s8, s12, $0x20;
	[tilespmem:$0x10100] =	vst v63  }
.LBB1_5:
0x1b: {  	s14 =	sadd.s32 $0x80, s9  }
0x1c: {  	s12 =	sadd.s32 $0x1000, s10;
	s16 =	smov.u32 s10;
	p2 =	sgt.s32 s14, $0x31FF  }
0x1d: {  	s16 =	smov.u32 @p2 s12  }
0x1e: {  	s14 =	simm.s32 @p2 $0x0;
	p2 =	sgt.s32 s16, $0xFFF  }
0x1f: {  	s16 =	smov.u32 @p2 s2;
	p2 =	sne.s32 s11, s7  }
.Ltmp1:
0x20: {  	p1 =	slt.u32 s11, $0x2;
	(pc) =	sbr.rel @!p2 .LBB1_6-.Ltmp1, $4  }
0x21: {  	s15 =	simm.s32 @!p1 $0x2  }
0x22: {  	s13 =	smov.u32 s9;
	p0 =	por !p0, !p0;
	_ =	swait.ge @!p1 [sflag:s15], $0x4000  }
0x23: {  	s12 =	smov.u32 s10;
	[sflag:s15] =	ssyncset.done @!p1 $0x0;
	s9 =	smov.u32 s14  }
0x24: {  	s11 =	sadd.s32 $0x1, s11;
	[sflag:s15] =	ssyncadd.s32 @!p1 $0xFFFFC000;
	s10 =	smov.u32 s16  }
.LBB1_1:
0x25: {  	p1 =	sge.u32 s11, s5  }
0x26: {  	s14 =	sshrl.u32 @!p1 s10, $0x3  }
0x27: {  	s15 =	sshll.u32 @!p1 s9, $0x3;
	s14 =	smul.u32 @!p1 $0x19000, s14  }
0x28: {  	s16 =	sshll.u32 @!p1 s10, $0x7;
	s15 =	sand.u32 @!p1 $0xFFFFFC00, s15  }
0x29: {  	s14 =	sadd.s32 @!p1 s14, s15;
	s15 =	sand.u32 @!p1 $0x380, s16  }
0x2a: {  	s16 =	sand.u32 @!p1 $0x7F, s9;
	s14 =	sor.u32 @!p1 s15, s14  }
0x2b: {  	s15 =	sor.u32 @!p1 s16, s14  }
0x2c: {  	s16 =	smulhi.u32 @!p1 $0x51EB851F, s15;
	_ =	sdelay $0x1  }
0x2d: {  	s14 =	smulhi.u32 @!p1 $0x51EB851F, s14;
	s16 =	sshrl.u32 @!p1 s16, $0xC  }
0x2e: {  	s16 =	smul.u32 @!p1 $0x3200, s16  }
0x2f: {  	s31 =	sadd.s32 $0xFFFFFFFF, s11;
	s17 =	sxor.u32 @!p1 $0xFFFFFFFF, s11;
	s14 =	sshrl.u32 @!p1 s14, $0xC  }
0x30: {  	s17 =	sshll.u32 @!p1 s17, $0xE;
	s14 =	sand.u32 @!p1 $0xFFF, s14;
	s15 =	ssub.s32 @!p1 s15, s16  }
0x31: {  	s14 =	smul.u32 @!p1 $0x640, s14;
	s16 =	sshrl.u32 @!p1 s15, $0x3;
	s15 =	sand.u32 @!p1 $0x7, s15  }
0x32: {  	s17 =	sand.u32 @!p1 $0x4000, s17;
	s16 =	sadd.s32 @!p1 s6, s16;
	s15 =	sshll.u32 @!p1 s15, $0x12  }
0x33: {  	s14 =	sadd.s32 @!p1 s14, s16;
	s15 =	sor.u32 @!p1 $0x400, s15;
	s16 =	simm.s32 @!p1 $0x19000  }
0x34: {  	[tilespmem:s17], [sflag:$0x1] =	stream.strided.gather @!p1 [hbm4b:s14+s15], $0x4000, s16, s15, $0x38;
	[tilespmem:$0x10100] =	vst v63  }
0x35: {  	p1 =	sge.u32 s31, s5  }
.Ltmp2:
0x36: {  	_ = 	snop;
	(pc) =	sbr.rel @p1 .LBB1_5-.Ltmp2, $1  }
0x37: {  	_ =	sdelay $0x3  }
0x38: {  	s14 =	simm.s32 $0x1  }
0x39: {  	_ =	swait.ge [sflag:s4], $0x4000;
	s14 =	simm.s32 @!p0 $0x0  }
0x3a: {  	[sflag:s4] =	ssyncset.done $0x0;
	s15 =	sshll.u32 s14, $0xE  }
0x3b: {  	[sflag:s4] =	ssyncadd.s32 $0xFFFFC000;
	s17 =	sor.u32 $0x40, s15  }
0x3c: {  	s14 =	smul.u32 $0x10200, s14;
	v0 =	vld [tilespmem:s17+$0x30]  }
0x3d: {  	v1 =	vld [tilespmem:s17+$0xFFFFFFD0]  }
0x3e: {  	s14 =	sshrl.u32 s14, $0x2;
	v5 =	vld [tilespmem:s17+$0xFFFFFFE0]  }
0x3f: {  	v6 =	vld [tilespmem:s17+$0xFFFFFFF0];
	s15 =	sor.u32 $0x8000, s14  }
0x40: {  	s31 =	sand.u32 $0x1, s11;
	v4 =	vld [tilespmem:s17+$0x0];
	s16 =	sadd.s32 $0x0, s15  }
0x41: {  	v3 =	vld [tilespmem:s17+$0x10];
	s14 =	smul.u32 $0x10200, s31;
	[tilespmem:s16+$0x3870 ss:$0x81] =	vst.msk $0xffff, v0  }
0x42: {  	v2 =	vld [tilespmem:s17+$0x20];
	[tilespmem:s16+$0x810 ss:$0x81] =	vst.msk $0xffff, v1  }
0x43: {  	s14 =	sshrl.u32 s14, $0x2;
	v0 =	vld [tilespmem:s17+$0xFFFFFFC0];
	[tilespmem:s16+$0x1020 ss:$0x81] =	vst.msk $0xffff, v5;
	s17 =	sadd.s32 $0x80, s17  }
0x44: {  	s18 =	simm.s32 $0x4;
	s19 =	simm.s32 $0x8;
	s14 =	sor.u32 $0x8000, s14;
	[tilespmem:s16+$0x1830 ss:$0x81] =	vst.msk $0xffff, v6;
	v1 =	vld [tilespmem:s17+$0x30]  }
.LBB1_3:
0x45: {  	p1 =	sne.s32 s19, $0x1FC;
	v5 =	vld [tilespmem:s17+$0xFFFFFFD0];
	[tilespmem:s16+$0x2040 ss:$0x81] =	vst.msk $0xffff, v4  }
0x46: {  	v6 =	vld [tilespmem:s17+$0xFFFFFFE0];
	[tilespmem:s16+$0x2850 ss:$0x81] =	vst.msk $0xffff, v3  }
0x47: {  	s20 =	sshra.s32 s18, $0x2;
	s18 =	smov.u32 s19;
	v7 =	vld [tilespmem:s17+$0xFFFFFFF0];
	[tilespmem:s16+$0x3060 ss:$0x81] =	vst.msk $0xffff, v2  }
.Ltmp3:
0x48: {  	v4 =	vld [tilespmem:s17+$0x0];
	[tilespmem:s16+$0x0 ss:$0x81] =	vst.msk $0xffff, v0;
	s16 =	sadd.s32 s20, s15;
	(pc) =	sbr.rel @p1 .LBB1_3-.Ltmp3, $4  }
0x49: {  	v3 =	vld [tilespmem:s17+$0x10];
	[tilespmem:s16+$0x3870 ss:$0x81] =	vst.msk $0xffff, v1  }
0x4a: {  	[tilespmem:s16+$0x810 ss:$0x81] =	vst.msk $0xffff, v5;
	v2 =	vld [tilespmem:s17+$0x20]  }
0x4b: {  	v0 =	vld [tilespmem:s17+$0xFFFFFFC0];
	[tilespmem:s16+$0x1020 ss:$0x81] =	vst.msk $0xffff, v6;
	s17 =	sadd.s32 $0x80, s17  }
0x4c: {  	s19 =	sadd.s32 $0x4, s19;
	v1 =	vld [tilespmem:s17+$0x30];
	[tilespmem:s16+$0x1830 ss:$0x81] =	vst.msk $0xffff, v7  }
.Ltmp4:
0x4d: {  	_ = 	snop;
	(pc) =	sbr.rel .LBB1_4-.Ltmp4, $1  }
0x4e: {  	_ =	sdelay $0x3  }
.LBB1_6:
0x4f: {  	_ =	sfence.sel $0x180000  }
0x50: {  	s2 =	simm.s32 $0x1;
	[bflag:$0x0] =	sbarrier.arrive $0xFFFF  }
0x51: {  	s31 =	simm.s32 $0x2;
	[sflag:s2] =	ssyncpa.u1 $0x1  }
0x52: {  	[sflag:s31] =	ssyncpa.u1 $0x1  }
0x53: {  	p0 =	sne.s32 s0, $0x0;
	_ =	strace $0x9000004A  }
0x54: {  	s0 =	sadd.s32 @!p0 $0x100000, s1;
	[bflag:$0x2] =	sbarrier.arrive $0xFFFF  }
0x55: {  	[sflag:s0] =	ssyncadd.tile.s32 @!p0 $0x1;
	_ =	shalt  }
.Lfunc_end1:
_tile_overlayer_lowered:
.L_overlay_start_2:
0x56: {  	(tag) =	ssettag $0x2  }
0x57: {  	s0 =	rddreg [dreg:$0x0];
	s2 =	stileid.u32  }
0x58: {  	s1 =	rddreg [dreg:$0x1];
	p0 =	sne.s32 s2, $0x0  }
0x59: {  	s3 =	rddreg [dreg:$0x2];
	[bflag:$0x3] =	sbarrier.arrive $0xFFFF;
	s2 =	simm.s32 @!p0 $0x1C01  }
0x5a: {  	[timem:s3], [sflag:s2] =	dma.local @!p0 [hbm:s0], s1  }
0x5b: {  	s0 =	simm.s32 @!p0 $0x1  }
0x5c: {  	_ =	swait.ge @!p0 [sflag:s0], s1  }
0x5d: {  	s1 =	ssub.s32 @!p0 $0x0, s1;
	[sflag:s0] =	ssyncset.done @!p0 $0x0  }
0x5e: {  	[sflag:s0] =	ssyncadd.s32 @!p0 s1  }
0x5f: {  	[bflag:$0x3] =	sbarrier.arrive $0xFFFF  }
0x60: {  	_ =	shalt  }

</sc_bundles>
